<compile_context>
chip_gen: v7x
topology: tpu7x:2x2x1
jax: 0.10.2.dev20260603
libtpu: 0.0.44.dev20260713+nightly
codegen_flags: <defaults>
</compile_context>

<pallas_src>
import jax
import jax.numpy as jnp
from jax import lax
from jax.experimental import pallas as pl
from jax.experimental.pallas import tpu as pltpu
from jax.experimental.pallas import tpu_sc as plsc

N_VOX = 100000
VOL = 128
HID = 8
GRID = VOL * VOL * VOL
HALF = GRID // 2

X_PAD = 307200
R0 = X_PAD // 16
BR = 2400
S1_STEPS = R0 // BR


def _mlp_head_kernel(x_ref, w0_ref, b0_ref, w1_ref, b1_ref, w2_ref, b2_ref,
                     w3_ref, b3_ref, w4_ref, b4_ref, acc_ref, out_ref):
    i = pl.program_id(0)

    @pl.when(i == 0)
    def _():
        acc_ref[...] = jnp.zeros_like(acc_ref)

    xb = x_ref[...]
    wb = w0_ref[...]
    acc_ref[...] += jax.lax.dot_general(
        xb, wb, (((0,), (0,)), ((), ())),
        preferred_element_type=jnp.float32)

    @pl.when(i == S1_STEPS - 1)
    def _():
        m_i = lax.broadcasted_iota(jnp.int32, (16, 128), 0)
        c_i = lax.broadcasted_iota(jnp.int32, (16, 128), 1)
        t = jnp.where((c_i >> 3) == m_i, acc_ref[...], 0.0)
        hsum = jnp.sum(t, axis=0, keepdims=True)
        r_i = lax.broadcasted_iota(jnp.int32, (128, 8), 0)
        k_i = lax.broadcasted_iota(jnp.int32, (128, 8), 1)
        sel = jnp.where((r_i & 7) == k_i, 1.0, 0.0)
        h = jnp.dot(hsum, sel, preferred_element_type=jnp.float32)
        h = jnp.sin(h + b0_ref[...])
        for w_r, b_r in ((w1_ref, b1_ref), (w2_ref, b2_ref),
                         (w3_ref, b3_ref), (w4_ref, b4_ref)):
            h = h + jnp.sin(jnp.dot(h, w_r[...],
                                    preferred_element_type=jnp.float32)
                            + b_r[...])
        out_ref[...] = h


def _mlp_head(x16, W0r, b0, W1, b1, W2, b2, W3, b3, W4, b4):
    small = pl.BlockSpec((8, 8), lambda i: (0, 0))
    vec = pl.BlockSpec((1, 8), lambda i: (0, 0))
    acc, h = pl.pallas_call(
        _mlp_head_kernel,
        grid=(S1_STEPS,),
        in_specs=[
            pl.BlockSpec((BR, 16), lambda i: (i, 0)),
            pl.BlockSpec((BR, 128), lambda i: (i, 0)),
            vec, small, vec, small, vec, small, vec, small, vec,
        ],
        out_specs=[pl.BlockSpec((16, 128), lambda i: (0, 0)), vec],
        out_shape=[jax.ShapeDtypeStruct((16, 128), jnp.float32),
                   jax.ShapeDtypeStruct((1, 8), jnp.float32)],
    )(x16, W0r, b0.reshape(1, 8), W1, b1.reshape(1, 8), W2,
      b2.reshape(1, 8), W3, b3.reshape(1, 8), W4, b4.reshape(1, 8))
    del acc
    return h


BN = 2048
S2_STEPS = 49
NP2 = S2_STEPS * BN



ROWS4 = 4 * BN // 128


def _expand_kernel(h_ref, w5_ref, out_ref):
    t = jnp.dot(h_ref[...], w5_ref[...],
                preferred_element_type=jnp.float32)
    out_ref[...] = t.reshape(ROWS4, 128)


def _expand(h, W5):
    return pl.pallas_call(
        _expand_kernel,
        grid=(S2_STEPS,),
        in_specs=[
            pl.BlockSpec((1, 8), lambda i: (0, 0)),
            pl.BlockSpec((8, 4 * BN), lambda i: (0, i)),
        ],
        out_specs=pl.BlockSpec((ROWS4, 128), lambda i: (i, 0)),
        out_shape=jax.ShapeDtypeStruct((S2_STEPS * ROWS4, 128), jnp.float32),
    )(h, W5)


def _corners_kernel(delta_ref, inds_ref, rv_ref, idx_ref, amp_ref):
    i = pl.program_id(0)
    delta = [delta_ref[c:c + 1, :] for c in range(4)]
    it = inds_ref[...].T
    values = jax.nn.relu(rv_ref[...] + delta[3])

    f = []
    ii = []
    for d in range(3):
        cd = it[2 - d:3 - d, :].astype(jnp.float32) + 64.0 * delta[d]
        fl = jnp.floor(cd)
        f.append(cd - fl)
        ii.append(fl.astype(jnp.int32))

    j = lax.broadcasted_iota(jnp.int32, (8, 1), 0)
    m0 = (j == 1) | (j >= 5)
    m1 = (j == 2) | (j == 4) | (j >= 6)
    m2 = (j == 3) | (j == 4) | (j == 5) | (j == 7)
    w = (jnp.where(m0, f[0], 1.0 - f[0])
         * jnp.where(m1, f[1], 1.0 - f[1])
         * jnp.where(m2, f[2], 1.0 - f[2]))
    amp = values * w
    i0 = ii[0] + m0.astype(jnp.int32)
    i1 = ii[1] + m1.astype(jnp.int32)
    i2 = ii[2] + m2.astype(jnp.int32)
    valid = ((i0 >= 0) & (i0 < VOL) & (i1 >= 0) & (i1 < VOL)
             & (i2 >= 0) & (i2 < VOL))
    i0c = jnp.clip(i0, 0, VOL - 1)
    i1c = jnp.clip(i1, 0, VOL - 1)
    i2c = jnp.clip(i2, 0, VOL - 1)
    lin = (i2c * VOL + i1c) * VOL + i0c

    gv = i * BN + lax.broadcasted_iota(jnp.int32, (1, BN), 1)
    maskv = gv < N_VOX
    spread = (gv * 37 + 11) & (GRID - 1)
    lin = jnp.where(maskv, lin, spread)
    ampf = jnp.where(valid & maskv, amp, 0.0)

    in0 = lin < HALF
    wrap = lin & (HALF - 1)
    idx_ref[...] = jnp.concatenate(
        [jnp.where(in0, lin, wrap), jnp.where(in0, wrap, lin - HALF)], axis=0)
    amp_ref[...] = jnp.concatenate(
        [jnp.where(in0, ampf, 0.0), jnp.where(in0, 0.0, ampf)], axis=0)


def _corners(delta4, inds, refv):
    return pl.pallas_call(
        _corners_kernel,
        grid=(S2_STEPS,),
        in_specs=[
            pl.BlockSpec((4, BN), lambda i: (0, i)),
            pl.BlockSpec((BN, 3), lambda i: (i, 0)),
            pl.BlockSpec((1, BN), lambda i: (0, i)),
        ],
        out_specs=[pl.BlockSpec((16, BN), lambda i: (0, i))] * 2,
        out_shape=[jax.ShapeDtypeStruct((16, NP2), jnp.int32),
                   jax.ShapeDtypeStruct((16, NP2), jnp.float32)],
    )(delta4, inds, refv)


N_UPD = 8 * NP2
PER_TILE = N_UPD // 16
CHUNK = PER_TILE // 4
SLAB = HALF // 16
ZBUF = 8192


def _sc_scatter_body(idx_hbm, amp_hbm, out_hbm, grid_sh, idx_v, amp_v, zb):
    c = lax.axis_index("c")
    s = lax.axis_index("s")

    def _zf(i, _):
        zb[pl.ds(i * 16, 16)] = jnp.zeros((16,), jnp.float32)
        return 0
    lax.fori_loop(0, ZBUF // 16, _zf, 0)
    for r in range(SLAB // ZBUF):
        pltpu.sync_copy(zb, grid_sh.at[pl.ds(s * SLAB + r * ZBUF, ZBUF)])
    plsc.subcore_barrier()

    row = c * 8 + (s >> 1)
    colbase = (s & 1) * PER_TILE

    def _chunk(k, _):
        off = colbase + k * CHUNK
        pltpu.sync_copy(idx_hbm.at[row, pl.ds(off, CHUNK)], idx_v)
        pltpu.sync_copy(amp_hbm.at[row, pl.ds(off, CHUNK)], amp_v)
        pltpu.sync_copy(amp_v, grid_sh.at[idx_v], add=True)
        return 0
    lax.fori_loop(0, PER_TILE // CHUNK, _chunk, 0)
    plsc.subcore_barrier()

    pltpu.sync_copy(grid_sh.at[pl.ds(s * SLAB, SLAB)],
                    out_hbm.at[pl.ds(c * HALF + s * SLAB, SLAB)])


def _sc_scatter(idx_all, amp_all):
    mesh = plsc.VectorSubcoreMesh(core_axis_name="c", subcore_axis_name="s")
    fn = pl.kernel(
        _sc_scatter_body,
        mesh=mesh,
        out_type=jax.ShapeDtypeStruct((GRID,), jnp.float32),
        scratch_types=[
            pltpu.VMEM_SHARED((HALF,), jnp.float32),
            pltpu.VMEM((CHUNK,), jnp.int32),
            pltpu.VMEM((CHUNK,), jnp.float32),
            pltpu.VMEM((ZBUF,), jnp.float32),
        ],
    )
    return fn(idx_all, amp_all)


def kernel(inds, reference_values, W0, b0, W1, b1, W2, b2, W3, b3, W4, b4,
           W5, b5):
    coords0 = jnp.flip(inds, axis=1).astype(jnp.float32)
    xflat = ((coords0 - 64.0) / 64.0).reshape(3 * N_VOX)
    x16 = jnp.pad(xflat, (0, X_PAD - 3 * N_VOX)).reshape(R0, 16)
    W0r = jnp.pad(W0, ((0, X_PAD - 3 * N_VOX), (0, 0))).reshape(R0, 128)

    h = _mlp_head(x16, W0r, b0, W1, b1, W2, b2, W3, b3, W4, b4)
    d4 = _expand(h, W5)
    df = d4.reshape(-1)[:4 * N_VOX] + b5
    delta4 = jnp.stack([df[c::4] for c in range(4)], axis=0)
    idx_all, amp_all = _corners(delta4, inds, reference_values)
    grid_flat = _sc_scatter(idx_all, amp_all)
    return grid_flat.reshape(1, VOL, VOL, VOL)

# --- scband reference (transcript-rebuilt; emitter-appended) ---
"""Pipeline reference for scband-delta-volume-decoder-50328426774785 (READ-ONLY COPY).

The authoritative reference and input builder live on the scoring server;
editing this copy changes nothing except your own understanding.
"""

import jax, jax.numpy as jnp
import numpy as np

TOTAL_VOXELS = 100000
VOLUME_SIZE = 128
HIDDEN = 8
OUT_DIM = 4 * TOTAL_VOXELS  # transport_mass=True, learn_delta_volume=True


def setup_inputs(seed: int = 0) -> dict:
    key = jax.random.key(seed)
    ks = jax.random.split(key, 12)
    inds = jax.random.randint(ks[0], (TOTAL_VOXELS, 3), 0, VOLUME_SIZE, dtype=jnp.int32)
    reference_values = jax.random.uniform(ks[1], (1, TOTAL_VOXELS), dtype=jnp.float32)
    fan0 = 3 * TOTAL_VOXELS
    # siren_init_first(c=1.0): U(-1/fan_in, 1/fan_in)
    W0 = jax.random.uniform(ks[2], (fan0, HIDDEN), minval=-1.0 / fan0, maxval=1.0 / fan0, dtype=jnp.float32)
    b0 = jnp.zeros((HIDDEN,), jnp.float32)
    s = float(np.sqrt(6.0 / HIDDEN))
    W1 = jax.random.uniform(ks[3], (HIDDEN, HIDDEN), minval=-s, maxval=s, dtype=jnp.float32)
    W2 = jax.random.uniform(ks[4], (HIDDEN, HIDDEN), minval=-s, maxval=s, dtype=jnp.float32)
    W3 = jax.random.uniform(ks[5], (HIDDEN, HIDDEN), minval=-s, maxval=s, dtype=jnp.float32)
    W4 = jax.random.uniform(ks[6], (HIDDEN, HIDDEN), minval=-s, maxval=s, dtype=jnp.float32)
    b1 = jnp.zeros((HIDDEN,), jnp.float32)
    b2 = jnp.zeros((HIDDEN,), jnp.float32)
    b3 = jnp.zeros((HIDDEN,), jnp.float32)
    b4 = jnp.zeros((HIDDEN,), jnp.float32)
    # final Linear (default init); scale down so learned deltas stay small/realistic
    W5 = jax.random.normal(ks[7], (HIDDEN, OUT_DIM), dtype=jnp.float32) * (0.01 / np.sqrt(HIDDEN))
    b5 = jnp.zeros((OUT_DIM,), jnp.float32)
    return {
        'inds': inds, 'reference_values': reference_values,
        'W0': W0, 'b0': b0, 'W1': W1, 'b1': b1, 'W2': W2, 'b2': b2,
        'W3': W3, 'b3': b3, 'W4': W4, 'b4': b4, 'W5': W5, 'b5': b5,
    }


def reference(inds, reference_values, W0, b0, W1, b1, W2, b2, W3, b3, W4, b4, W5, b5):
    factor = 0.5 * VOLUME_SIZE
    coords0 = jnp.stack([inds[:, 2], inds[:, 1], inds[:, 0]], axis=1)[None, ...].astype(jnp.float32)
    coords_n = (coords0 - factor) / factor
    # __call__ : SIREN MLP with residual sin blocks
    x = coords_n.flatten()[None, ...]
    x = jnp.sin(1.0 * (x @ W0 + b0))
    for (W, b) in ((W1, b1), (W2, b2), (W3, b3), (W4, b4)):
        x = x + jnp.sin(1.0 * (x @ W + b))
    x = x @ W5 + b5
    x = jnp.reshape(x, (x.shape[0], TOTAL_VOXELS, 4))
    delta_coords, delta_values = x[..., :3], x[..., 3]
    values = jax.nn.relu(reference_values + delta_values)
    coords = factor * (coords_n + delta_coords)
    # decode_volume(filter=False): trilinear mass splatting via scatter-add
    coords = coords + factor
    grids = jnp.zeros((values.shape[0], VOLUME_SIZE, VOLUME_SIZE, VOLUME_SIZE), jnp.float32)
    bposf = jnp.floor(coords)
    bposi = bposf.astype(jnp.int32)
    bposf = coords - bposf
    fx, fy, fz = bposf[:, :, 0], bposf[:, :, 1], bposf[:, :, 2]
    bamp0 = values * (1.0 - fx) * (1.0 - fy) * (1.0 - fz)
    bamp1 = values * fx * (1.0 - fy) * (1.0 - fz)
    bamp2 = values * (1.0 - fx) * fy * (1.0 - fz)
    bamp3 = values * (1.0 - fx) * (1.0 - fy) * fz
    bamp4 = values * (1.0 - fx) * fy * fz
    bamp5 = values * fx * (1.0 - fy) * fz
    bamp6 = values * fx * fy * (1.0 - fz)
    bamp7 = values * fx * fy * fz
    bamp = jnp.concatenate([bamp0, bamp1, bamp2, bamp3, bamp4, bamp5, bamp6, bamp7], axis=1)
    offs = [(0, 0, 0), (1, 0, 0), (0, 1, 0), (0, 0, 1), (0, 1, 1), (1, 0, 1), (1, 1, 0), (1, 1, 1)]
    bposi = jnp.concatenate([bposi + jnp.array(o, jnp.int32) for o in offs], axis=1)

    def scatter_volume(vol, bpos_i, bamp_i):
        return vol.at[bpos_i[..., 2], bpos_i[..., 1], bpos_i[..., 0]].add(bamp_i)

    grids = jax.vmap(scatter_volume, in_axes=(0, None, 0))(grids, bposi, bamp)
    return grids

if __name__ == "__main__":
    import jax
    _d = setup_inputs()
    print(jax.jit(kernel)(*tuple(_d.values())))

</pallas_src>

<mosaic_0001>
#map = affine_map<(d0, d1) -> (0, 0)>
#map1 = affine_map<(d0, d1) -> (0)>
module attributes {stable_mosaic.version = 14 : i64} {
  func.func @_sc_scatter_body(%arg0: i32, %arg1: i32, %arg2: memref<16x100352xi32, #tpu.memory_space<hbm>>, %arg3: memref<16x100352xf32, #tpu.memory_space<hbm>>, %arg4: memref<2097152xf32, #tpu.memory_space<hbm>>, %arg5: memref<1048576xf32, #tpu.memory_space<vmem_shared>>, %arg6: memref<12544xi32, #tpu.memory_space<vmem>>, %arg7: memref<12544xf32, #tpu.memory_space<vmem>>, %arg8: memref<8192xf32, #tpu.memory_space<vmem>>) attributes {dimension_semantics = [#tpu.dimension_semantics<core_parallel>, #tpu.dimension_semantics<subcore_parallel>], iteration_bounds = array<i64: 2, 16>, scalar_prefetch = 0 : i64, scratch_operands = 4 : i64, tpu.core_type = #tpu.core_type<sc_vector_subcore>, window_params = [{transform_indices = #map}, {transform_indices = #map}, {transform_indices = #map1}]} {
    %scan3A = arith.constant 0 : i32
    %scan3A_0 = arith.constant 0 : i32
    %scan3A_1 = arith.constant 512 : i32
    %scan3A_2 = arith.addi %scan3A_0, %scan3A_1 : i32
    %scan3A_3 = arith.constant 1 : i32
    %scan3A_4 = scf.for %scan3A_58 = %scan3A_0 to %scan3A_2 step %scan3A_3 iter_args(%scan3A_59 = %scan3A) -> (i32)  : i32 {
      %broadcast_in_dim3A = arith.constant 0.000000e+00 : f32
      %broadcast_in_dim3A_60 = vector.broadcast %broadcast_in_dim3A : f32 to vector<16xf32>
      %mul3A_61 = arith.constant 16 : i32
      %mul3A_62 = arith.muli %scan3A_58, %mul3A_61 : i32
      %swap3A = arith.index_cast %mul3A_62 : i32 to index
      %swap3A_63 = tpu.vector_load %arg8[%swap3A] {strides = array<i32>} : memref<8192xf32, #tpu.memory_space<vmem>>, vector<16xf32>,
      %swap3A_64 = vector.shape_cast %swap3A_63 : vector<16xf32> to vector<16xf32>
      %swap3A_65 = vector.shape_cast %broadcast_in_dim3A_60 : vector<16xf32> to vector<16xf32>
      tpu.vector_store %arg8[%swap3A], %swap3A_65 {strides = array<i32>} : memref<8192xf32, #tpu.memory_space<vmem>>, vector<16xf32>,
      %scan3A_66 = arith.constant 0 : i32
      scf.yield %scan3A_66 : i32
    }
    %scan3A_5 = arith.constant 512 : i32
    %mul3A = arith.constant 65536 : i32
    %mul3A_6 = arith.muli %arg1, %mul3A : i32
    %add3A = arith.constant 0 : i32
    %add3A_7 = arith.addi %mul3A_6, %add3A : i32
    "tpu.region"() ({
      %run_scoped3A = tpu.sem_alloc : memref<!tpu.dma_semaphore, #tpu.memory_space<semaphore_mem>>
      %dma_start3A = tpu.memref_slice %arg5[%add3A_7] : memref<1048576xf32, #tpu.memory_space<vmem_shared>> -> memref<8192xf32, #tpu.memory_space<vmem_shared>>
      %dma_start3A_58 = tpu.memref_slice %arg5[%add3A_7] : memref<1048576xf32, #tpu.memory_space<vmem_shared>> -> memref<8192xf32, #tpu.memory_space<vmem_shared>>
      tpu.enqueue_dma source(%arg8 : memref<8192xf32, #tpu.memory_space<vmem>>) target(%dma_start3A_58 : memref<8192xf32, #tpu.memory_space<vmem_shared>>) target_semaphore(%run_scoped3A : memref<!tpu.dma_semaphore, #tpu.memory_space<semaphore_mem>>)
      %dma_wait3A = tpu.memref_slice %arg5[%add3A_7] : memref<1048576xf32, #tpu.memory_space<vmem_shared>> -> memref<8192xf32, #tpu.memory_space<vmem_shared>>
      %dma_wait3A_59 = tpu.memref_slice %arg5[%add3A_7] : memref<1048576xf32, #tpu.memory_space<vmem_shared>> -> memref<8192xf32, #tpu.memory_space<vmem_shared>>
      tpu.wait_dma2 semaphore(%run_scoped3A : memref<!tpu.dma_semaphore, #tpu.memory_space<semaphore_mem>>) src(%arg8 : memref<8192xf32, #tpu.memory_space<vmem>>) dst(%dma_wait3A_59 : memref<8192xf32, #tpu.memory_space<vmem_shared>>)
      tpu.yield
    }) : () -> ()
    %mul3A_8 = arith.constant 65536 : i32
    %mul3A_9 = arith.muli %arg1, %mul3A_8 : i32
    %add3A_10 = arith.constant 8192 : i32
    %add3A_11 = arith.addi %mul3A_9, %add3A_10 : i32
    "tpu.region"() ({
      %run_scoped3A = tpu.sem_alloc : memref<!tpu.dma_semaphore, #tpu.memory_space<semaphore_mem>>
      %dma_start3A = tpu.memref_slice %arg5[%add3A_11] : memref<1048576xf32, #tpu.memory_space<vmem_shared>> -> memref<8192xf32, #tpu.memory_space<vmem_shared>>
      %dma_start3A_58 = tpu.memref_slice %arg5[%add3A_11] : memref<1048576xf32, #tpu.memory_space<vmem_shared>> -> memref<8192xf32, #tpu.memory_space<vmem_shared>>
      tpu.enqueue_dma source(%arg8 : memref<8192xf32, #tpu.memory_space<vmem>>) target(%dma_start3A_58 : memref<8192xf32, #tpu.memory_space<vmem_shared>>) target_semaphore(%run_scoped3A : memref<!tpu.dma_semaphore, #tpu.memory_space<semaphore_mem>>)
      %dma_wait3A = tpu.memref_slice %arg5[%add3A_11] : memref<1048576xf32, #tpu.memory_space<vmem_shared>> -> memref<8192xf32, #tpu.memory_space<vmem_shared>>
      %dma_wait3A_59 = tpu.memref_slice %arg5[%add3A_11] : memref<1048576xf32, #tpu.memory_space<vmem_shared>> -> memref<8192xf32, #tpu.memory_space<vmem_shared>>
      tpu.wait_dma2 semaphore(%run_scoped3A : memref<!tpu.dma_semaphore, #tpu.memory_space<semaphore_mem>>) src(%arg8 : memref<8192xf32, #tpu.memory_space<vmem>>) dst(%dma_wait3A_59 : memref<8192xf32, #tpu.memory_space<vmem_shared>>)
      tpu.yield
    }) : () -> ()
    %mul3A_12 = arith.constant 65536 : i32
    %mul3A_13 = arith.muli %arg1, %mul3A_12 : i32
    %add3A_14 = arith.constant 16384 : i32
    %add3A_15 = arith.addi %mul3A_13, %add3A_14 : i32
    "tpu.region"() ({
      %run_scoped3A = tpu.sem_alloc : memref<!tpu.dma_semaphore, #tpu.memory_space<semaphore_mem>>
      %dma_start3A = tpu.memref_slice %arg5[%add3A_15] : memref<1048576xf32, #tpu.memory_space<vmem_shared>> -> memref<8192xf32, #tpu.memory_space<vmem_shared>>
      %dma_start3A_58 = tpu.memref_slice %arg5[%add3A_15] : memref<1048576xf32, #tpu.memory_space<vmem_shared>> -> memref<8192xf32, #tpu.memory_space<vmem_shared>>
      tpu.enqueue_dma source(%arg8 : memref<8192xf32, #tpu.memory_space<vmem>>) target(%dma_start3A_58 : memref<8192xf32, #tpu.memory_space<vmem_shared>>) target_semaphore(%run_scoped3A : memref<!tpu.dma_semaphore, #tpu.memory_space<semaphore_mem>>)
      %dma_wait3A = tpu.memref_slice %arg5[%add3A_15] : memref<1048576xf32, #tpu.memory_space<vmem_shared>> -> memref<8192xf32, #tpu.memory_space<vmem_shared>>
      %dma_wait3A_59 = tpu.memref_slice %arg5[%add3A_15] : memref<1048576xf32, #tpu.memory_space<vmem_shared>> -> memref<8192xf32, #tpu.memory_space<vmem_shared>>
      tpu.wait_dma2 semaphore(%run_scoped3A : memref<!tpu.dma_semaphore, #tpu.memory_space<semaphore_mem>>) src(%arg8 : memref<8192xf32, #tpu.memory_space<vmem>>) dst(%dma_wait3A_59 : memref<8192xf32, #tpu.memory_space<vmem_shared>>)
      tpu.yield
    }) : () -> ()
    %mul3A_16 = arith.constant 65536 : i32
    %mul3A_17 = arith.muli %arg1, %mul3A_16 : i32
    %add3A_18 = arith.constant 24576 : i32
    %add3A_19 = arith.addi %mul3A_17, %add3A_18 : i32
    "tpu.region"() ({
      %run_scoped3A = tpu.sem_alloc : memref<!tpu.dma_semaphore, #tpu.memory_space<semaphore_mem>>
      %dma_start3A = tpu.memref_slice %arg5[%add3A_19] : memref<1048576xf32, #tpu.memory_space<vmem_shared>> -> memref<8192xf32, #tpu.memory_space<vmem_shared>>
      %dma_start3A_58 = tpu.memref_slice %arg5[%add3A_19] : memref<1048576xf32, #tpu.memory_space<vmem_shared>> -> memref<8192xf32, #tpu.memory_space<vmem_shared>>
      tpu.enqueue_dma source(%arg8 : memref<8192xf32, #tpu.memory_space<vmem>>) target(%dma_start3A_58 : memref<8192xf32, #tpu.memory_space<vmem_shared>>) target_semaphore(%run_scoped3A : memref<!tpu.dma_semaphore, #tpu.memory_space<semaphore_mem>>)
      %dma_wait3A = tpu.memref_slice %arg5[%add3A_19] : memref<1048576xf32, #tpu.memory_space<vmem_shared>> -> memref<8192xf32, #tpu.memory_space<vmem_shared>>
      %dma_wait3A_59 = tpu.memref_slice %arg5[%add3A_19] : memref<1048576xf32, #tpu.memory_space<vmem_shared>> -> memref<8192xf32, #tpu.memory_space<vmem_shared>>
      tpu.wait_dma2 semaphore(%run_scoped3A : memref<!tpu.dma_semaphore, #tpu.memory_space<semaphore_mem>>) src(%arg8 : memref<8192xf32, #tpu.memory_space<vmem>>) dst(%dma_wait3A_59 : memref<8192xf32, #tpu.memory_space<vmem_shared>>)
      tpu.yield
    }) : () -> ()
    %mul3A_20 = arith.constant 65536 : i32
    %mul3A_21 = arith.muli %arg1, %mul3A_20 : i32
    %add3A_22 = arith.constant 32768 : i32
    %add3A_23 = arith.addi %mul3A_21, %add3A_22 : i32
    "tpu.region"() ({
      %run_scoped3A = tpu.sem_alloc : memref<!tpu.dma_semaphore, #tpu.memory_space<semaphore_mem>>
      %dma_start3A = tpu.memref_slice %arg5[%add3A_23] : memref<1048576xf32, #tpu.memory_space<vmem_shared>> -> memref<8192xf32, #tpu.memory_space<vmem_shared>>
      %dma_start3A_58 = tpu.memref_slice %arg5[%add3A_23] : memref<1048576xf32, #tpu.memory_space<vmem_shared>> -> memref<8192xf32, #tpu.memory_space<vmem_shared>>
      tpu.enqueue_dma source(%arg8 : memref<8192xf32, #tpu.memory_space<vmem>>) target(%dma_start3A_58 : memref<8192xf32, #tpu.memory_space<vmem_shared>>) target_semaphore(%run_scoped3A : memref<!tpu.dma_semaphore, #tpu.memory_space<semaphore_mem>>)
      %dma_wait3A = tpu.memref_slice %arg5[%add3A_23] : memref<1048576xf32, #tpu.memory_space<vmem_shared>> -> memref<8192xf32, #tpu.memory_space<vmem_shared>>
      %dma_wait3A_59 = tpu.memref_slice %arg5[%add3A_23] : memref<1048576xf32, #tpu.memory_space<vmem_shared>> -> memref<8192xf32, #tpu.memory_space<vmem_shared>>
      tpu.wait_dma2 semaphore(%run_scoped3A : memref<!tpu.dma_semaphore, #tpu.memory_space<semaphore_mem>>) src(%arg8 : memref<8192xf32, #tpu.memory_space<vmem>>) dst(%dma_wait3A_59 : memref<8192xf32, #tpu.memory_space<vmem_shared>>)
      tpu.yield
    }) : () -> ()
    %mul3A_24 = arith.constant 65536 : i32
    %mul3A_25 = arith.muli %arg1, %mul3A_24 : i32
    %add3A_26 = arith.constant 40960 : i32
    %add3A_27 = arith.addi %mul3A_25, %add3A_26 : i32
    "tpu.region"() ({
      %run_scoped3A = tpu.sem_alloc : memref<!tpu.dma_semaphore, #tpu.memory_space<semaphore_mem>>
      %dma_start3A = tpu.memref_slice %arg5[%add3A_27] : memref<1048576xf32, #tpu.memory_space<vmem_shared>> -> memref<8192xf32, #tpu.memory_space<vmem_shared>>
      %dma_start3A_58 = tpu.memref_slice %arg5[%add3A_27] : memref<1048576xf32, #tpu.memory_space<vmem_shared>> -> memref<8192xf32, #tpu.memory_space<vmem_shared>>
      tpu.enqueue_dma source(%arg8 : memref<8192xf32, #tpu.memory_space<vmem>>) target(%dma_start3A_58 : memref<8192xf32, #tpu.memory_space<vmem_shared>>) target_semaphore(%run_scoped3A : memref<!tpu.dma_semaphore, #tpu.memory_space<semaphore_mem>>)
      %dma_wait3A = tpu.memref_slice %arg5[%add3A_27] : memref<1048576xf32, #tpu.memory_space<vmem_shared>> -> memref<8192xf32, #tpu.memory_space<vmem_shared>>
      %dma_wait3A_59 = tpu.memref_slice %arg5[%add3A_27] : memref<1048576xf32, #tpu.memory_space<vmem_shared>> -> memref<8192xf32, #tpu.memory_space<vmem_shared>>
      tpu.wait_dma2 semaphore(%run_scoped3A : memref<!tpu.dma_semaphore, #tpu.memory_space<semaphore_mem>>) src(%arg8 : memref<8192xf32, #tpu.memory_space<vmem>>) dst(%dma_wait3A_59 : memref<8192xf32, #tpu.memory_space<vmem_shared>>)
      tpu.yield
    }) : () -> ()
    %mul3A_28 = arith.constant 65536 : i32
    %mul3A_29 = arith.muli %arg1, %mul3A_28 : i32
    %add3A_30 = arith.constant 49152 : i32
    %add3A_31 = arith.addi %mul3A_29, %add3A_30 : i32
    "tpu.region"() ({
      %run_scoped3A = tpu.sem_alloc : memref<!tpu.dma_semaphore, #tpu.memory_space<semaphore_mem>>
      %dma_start3A = tpu.memref_slice %arg5[%add3A_31] : memref<1048576xf32, #tpu.memory_space<vmem_shared>> -> memref<8192xf32, #tpu.memory_space<vmem_shared>>
      %dma_start3A_58 = tpu.memref_slice %arg5[%add3A_31] : memref<1048576xf32, #tpu.memory_space<vmem_shared>> -> memref<8192xf32, #tpu.memory_space<vmem_shared>>
      tpu.enqueue_dma source(%arg8 : memref<8192xf32, #tpu.memory_space<vmem>>) target(%dma_start3A_58 : memref<8192xf32, #tpu.memory_space<vmem_shared>>) target_semaphore(%run_scoped3A : memref<!tpu.dma_semaphore, #tpu.memory_space<semaphore_mem>>)
      %dma_wait3A = tpu.memref_slice %arg5[%add3A_31] : memref<1048576xf32, #tpu.memory_space<vmem_shared>> -> memref<8192xf32, #tpu.memory_space<vmem_shared>>
      %dma_wait3A_59 = tpu.memref_slice %arg5[%add3A_31] : memref<1048576xf32, #tpu.memory_space<vmem_shared>> -> memref<8192xf32, #tpu.memory_space<vmem_shared>>
      tpu.wait_dma2 semaphore(%run_scoped3A : memref<!tpu.dma_semaphore, #tpu.memory_space<semaphore_mem>>) src(%arg8 : memref<8192xf32, #tpu.memory_space<vmem>>) dst(%dma_wait3A_59 : memref<8192xf32, #tpu.memory_space<vmem_shared>>)
      tpu.yield
    }) : () -> ()
    %mul3A_32 = arith.constant 65536 : i32
    %mul3A_33 = arith.muli %arg1, %mul3A_32 : i32
    %add3A_34 = arith.constant 57344 : i32
    %add3A_35 = arith.addi %mul3A_33, %add3A_34 : i32
    "tpu.region"() ({
      %run_scoped3A = tpu.sem_alloc : memref<!tpu.dma_semaphore, #tpu.memory_space<semaphore_mem>>
      %dma_start3A = tpu.memref_slice %arg5[%add3A_35] : memref<1048576xf32, #tpu.memory_space<vmem_shared>> -> memref<8192xf32, #tpu.memory_space<vmem_shared>>
      %dma_start3A_58 = tpu.memref_slice %arg5[%add3A_35] : memref<1048576xf32, #tpu.memory_space<vmem_shared>> -> memref<8192xf32, #tpu.memory_space<vmem_shared>>
      tpu.enqueue_dma source(%arg8 : memref<8192xf32, #tpu.memory_space<vmem>>) target(%dma_start3A_58 : memref<8192xf32, #tpu.memory_space<vmem_shared>>) target_semaphore(%run_scoped3A : memref<!tpu.dma_semaphore, #tpu.memory_space<semaphore_mem>>)
      %dma_wait3A = tpu.memref_slice %arg5[%add3A_35] : memref<1048576xf32, #tpu.memory_space<vmem_shared>> -> memref<8192xf32, #tpu.memory_space<vmem_shared>>
      %dma_wait3A_59 = tpu.memref_slice %arg5[%add3A_35] : memref<1048576xf32, #tpu.memory_space<vmem_shared>> -> memref<8192xf32, #tpu.memory_space<vmem_shared>>
      tpu.wait_dma2 semaphore(%run_scoped3A : memref<!tpu.dma_semaphore, #tpu.memory_space<semaphore_mem>>) src(%arg8 : memref<8192xf32, #tpu.memory_space<vmem>>) dst(%dma_wait3A_59 : memref<8192xf32, #tpu.memory_space<vmem_shared>>)
      tpu.yield
    }) : () -> ()
    %barrier3A = arith.constant 0 : index
    tpu.barrier barrier_id(%barrier3A)
    %mul3A_36 = arith.constant 8 : i32
    %mul3A_37 = arith.muli %arg0, %mul3A_36 : i32
    %shift_right_arithmetic3A = arith.constant 1 : i32
    %shift_right_arithmetic3A_38 = arith.shrsi %arg1, %shift_right_arithmetic3A : i32
    %add3A_39 = arith.addi %mul3A_37, %shift_right_arithmetic3A_38 : i32
    %and3A = arith.constant 1 : i32
    %and3A_40 = arith.andi %arg1, %and3A : i32
    %mul3A_41 = arith.constant 50176 : i32
    %mul3A_42 = arith.muli %and3A_40, %mul3A_41 : i32
    %scan3A_43 = arith.constant 0 : i32
    %scan3A_44 = arith.constant 0 : i32
    %scan3A_45 = arith.constant 4 : i32
    %scan3A_46 = arith.addi %scan3A_44, %scan3A_45 : i32
    %scan3A_47 = arith.constant 1 : i32
    %scan3A_48 = scf.for %scan3A_58 = %scan3A_44 to %scan3A_46 step %scan3A_47 iter_args(%scan3A_59 = %scan3A_43) -> (i32)  : i32 {
      %mul3A_60 = arith.constant 12544 : i32
      %mul3A_61 = arith.muli %scan3A_58, %mul3A_60 : i32
      %add3A_62 = arith.addi %mul3A_42, %mul3A_61 : i32
      "tpu.region"() ({
        %run_scoped3A = tpu.sem_alloc : memref<!tpu.dma_semaphore, #tpu.memory_space<semaphore_mem>>
        %dma_start3A = tpu.memref_slice %arg2[%add3A_39, %add3A_62] : memref<16x100352xi32, #tpu.memory_space<hbm>> -> memref<1x12544xi32, #tpu.memory_space<hbm>>
        %dma_start3A_64 = tpu.memref_squeeze %dma_start3A : memref<1x12544xi32, #tpu.memory_space<hbm>> -> memref<12544xi32, #tpu.memory_space<hbm>>
        %dma_start3A_65 = tpu.memref_slice %arg2[%add3A_39, %add3A_62] : memref<16x100352xi32, #tpu.memory_space<hbm>> -> memref<1x12544xi32, #tpu.memory_space<hbm>>
        %dma_start3A_66 = tpu.memref_squeeze %dma_start3A_65 : memref<1x12544xi32, #tpu.memory_space<hbm>> -> memref<12544xi32, #tpu.memory_space<hbm>>
        tpu.enqueue_dma source(%dma_start3A_66 : memref<12544xi32, #tpu.memory_space<hbm>>) target(%arg6 : memref<12544xi32, #tpu.memory_space<vmem>>) target_semaphore(%run_scoped3A : memref<!tpu.dma_semaphore, #tpu.memory_space<semaphore_mem>>)
        %dma_wait3A = tpu.memref_slice %arg2[%add3A_39, %add3A_62] : memref<16x100352xi32, #tpu.memory_space<hbm>> -> memref<1x12544xi32, #tpu.memory_space<hbm>>
        %dma_wait3A_67 = tpu.memref_squeeze %dma_wait3A : memref<1x12544xi32, #tpu.memory_space<hbm>> -> memref<12544xi32, #tpu.memory_space<hbm>>
        %dma_wait3A_68 = tpu.memref_slice %arg2[%add3A_39, %add3A_62] : memref<16x100352xi32, #tpu.memory_space<hbm>> -> memref<1x12544xi32, #tpu.memory_space<hbm>>
        %dma_wait3A_69 = tpu.memref_squeeze %dma_wait3A_68 : memref<1x12544xi32, #tpu.memory_space<hbm>> -> memref<12544xi32, #tpu.memory_space<hbm>>
        tpu.wait_dma2 semaphore(%run_scoped3A : memref<!tpu.dma_semaphore, #tpu.memory_space<semaphore_mem>>) src(%dma_wait3A_69 : memref<12544xi32, #tpu.memory_space<hbm>>) dst(%arg6 : memref<12544xi32, #tpu.memory_space<vmem>>)
        tpu.yield
      }) : () -> ()
      "tpu.region"() ({
        %run_scoped3A = tpu.sem_alloc : memref<!tpu.dma_semaphore, #tpu.memory_space<semaphore_mem>>
        %dma_start3A = tpu.memref_slice %arg3[%add3A_39, %add3A_62] : memref<16x100352xf32, #tpu.memory_space<hbm>> -> memref<1x12544xf32, #tpu.memory_space<hbm>>
        %dma_start3A_64 = tpu.memref_squeeze %dma_start3A : memref<1x12544xf32, #tpu.memory_space<hbm>> -> memref<12544xf32, #tpu.memory_space<hbm>>
        %dma_start3A_65 = tpu.memref_slice %arg3[%add3A_39, %add3A_62] : memref<16x100352xf32, #tpu.memory_space<hbm>> -> memref<1x12544xf32, #tpu.memory_space<hbm>>
        %dma_start3A_66 = tpu.memref_squeeze %dma_start3A_65 : memref<1x12544xf32, #tpu.memory_space<hbm>> -> memref<12544xf32, #tpu.memory_space<hbm>>
        tpu.enqueue_dma source(%dma_start3A_66 : memref<12544xf32, #tpu.memory_space<hbm>>) target(%arg7 : memref<12544xf32, #tpu.memory_space<vmem>>) target_semaphore(%run_scoped3A : memref<!tpu.dma_semaphore, #tpu.memory_space<semaphore_mem>>)
        %dma_wait3A = tpu.memref_slice %arg3[%add3A_39, %add3A_62] : memref<16x100352xf32, #tpu.memory_space<hbm>> -> memref<1x12544xf32, #tpu.memory_space<hbm>>
        %dma_wait3A_67 = tpu.memref_squeeze %dma_wait3A : memref<1x12544xf32, #tpu.memory_space<hbm>> -> memref<12544xf32, #tpu.memory_space<hbm>>
        %dma_wait3A_68 = tpu.memref_slice %arg3[%add3A_39, %add3A_62] : memref<16x100352xf32, #tpu.memory_space<hbm>> -> memref<1x12544xf32, #tpu.memory_space<hbm>>
        %dma_wait3A_69 = tpu.memref_squeeze %dma_wait3A_68 : memref<1x12544xf32, #tpu.memory_space<hbm>> -> memref<12544xf32, #tpu.memory_space<hbm>>
        tpu.wait_dma2 semaphore(%run_scoped3A : memref<!tpu.dma_semaphore, #tpu.memory_space<semaphore_mem>>) src(%dma_wait3A_69 : memref<12544xf32, #tpu.memory_space<hbm>>) dst(%arg7 : memref<12544xf32, #tpu.memory_space<vmem>>)
        tpu.yield
      }) : () -> ()
      "tpu.region"() ({
        %run_scoped3A = tpu.sem_alloc : memref<!tpu.dma_semaphore, #tpu.memory_space<semaphore_mem>>
        %dma_start3A = arith.constant 0 : i32
        %dma_start3A_64 = tpu.memref_slice %arg5[%dma_start3A] : memref<1048576xf32, #tpu.memory_space<vmem_shared>> -> memref<1048576xf32, #tpu.memory_space<vmem_shared>>
        tpu.enqueue_indirect_dma source(%arg7 : memref<12544xf32, #tpu.memory_space<vmem>>) target(%dma_start3A_64 : memref<1048576xf32, #tpu.memory_space<vmem_shared>>) offsets(%arg6 : memref<12544xi32, #tpu.memory_space<vmem>>) semaphore(%run_scoped3A : memref<!tpu.dma_semaphore, #tpu.memory_space<semaphore_mem>>) {add = true}
        %dma_wait3A = arith.constant 0 : i32
        %dma_wait3A_65 = tpu.memref_slice %arg5[%dma_wait3A] : memref<1048576xf32, #tpu.memory_space<vmem_shared>> -> memref<1048576xf32, #tpu.memory_space<vmem_shared>>
        tpu.wait_indirect_dma semaphore(%run_scoped3A : memref<!tpu.dma_semaphore, #tpu.memory_space<semaphore_mem>>) src(%arg7 : memref<12544xf32, #tpu.memory_space<vmem>>) dst(%dma_wait3A_65 : memref<1048576xf32, #tpu.memory_space<vmem_shared>>)
        tpu.yield
      }) : () -> ()
      %scan3A_63 = arith.constant 0 : i32
      scf.yield %scan3A_63 : i32
    }
    %scan3A_49 = arith.constant 4 : i32
    %barrier3A_50 = arith.constant 0 : index
    tpu.barrier barrier_id(%barrier3A_50)
    %mul3A_51 = arith.constant 65536 : i32
    %mul3A_52 = arith.muli %arg1, %mul3A_51 : i32
    %mul3A_53 = arith.constant 1048576 : i32
    %mul3A_54 = arith.muli %arg0, %mul3A_53 : i32
    %mul3A_55 = arith.constant 65536 : i32
    %mul3A_56 = arith.muli %arg1, %mul3A_55 : i32
    %add3A_57 = arith.addi %mul3A_54, %mul3A_56 : i32
    "tpu.region"() ({
      %run_scoped3A = tpu.sem_alloc : memref<!tpu.dma_semaphore, #tpu.memory_space<semaphore_mem>>
      %dma_start3A = tpu.memref_slice %arg4[%add3A_57] : memref<2097152xf32, #tpu.memory_space<hbm>> -> memref<65536xf32, #tpu.memory_space<hbm>>
      %dma_start3A_58 = tpu.memref_slice %arg5[%mul3A_52] : memref<1048576xf32, #tpu.memory_space<vmem_shared>> -> memref<65536xf32, #tpu.memory_space<vmem_shared>>
      tpu.enqueue_dma source(%dma_start3A_58 : memref<65536xf32, #tpu.memory_space<vmem_shared>>) target(%dma_start3A : memref<65536xf32, #tpu.memory_space<hbm>>) target_semaphore(%run_scoped3A : memref<!tpu.dma_semaphore, #tpu.memory_space<semaphore_mem>>)
      %dma_wait3A = tpu.memref_slice %arg4[%add3A_57] : memref<2097152xf32, #tpu.memory_space<hbm>> -> memref<65536xf32, #tpu.memory_space<hbm>>
      %dma_wait3A_59 = tpu.memref_slice %arg5[%mul3A_52] : memref<1048576xf32, #tpu.memory_space<vmem_shared>> -> memref<65536xf32, #tpu.memory_space<vmem_shared>>
      tpu.wait_dma2 semaphore(%run_scoped3A : memref<!tpu.dma_semaphore, #tpu.memory_space<semaphore_mem>>) src(%dma_wait3A_59 : memref<65536xf32, #tpu.memory_space<vmem_shared>>) dst(%dma_wait3A : memref<65536xf32, #tpu.memory_space<hbm>>)
      tpu.yield
    }) : () -> ()
    return
  }
}

module attributes {stable_mosaic.version = 14 : i64} {
  func.func @_mlp_head_kernel(%arg0: i32, %arg1: memref<2400x16xf32, #tpu.memory_space<vmem>>, %arg2: memref<2400x128xf32, #tpu.memory_space<vmem>>, %arg3: memref<1x8xf32, #tpu.memory_space<vmem>>, %arg4: memref<8x8xf32, #tpu.memory_space<vmem>>, %arg5: memref<1x8xf32, #tpu.memory_space<vmem>>, %arg6: memref<8x8xf32, #tpu.memory_space<vmem>>, %arg7: memref<1x8xf32, #tpu.memory_space<vmem>>, %arg8: memref<8x8xf32, #tpu.memory_space<vmem>>, %arg9: memref<1x8xf32, #tpu.memory_space<vmem>>, %arg10: memref<8x8xf32, #tpu.memory_space<vmem>>, %arg11: memref<1x8xf32, #tpu.memory_space<vmem>>, %arg12: memref<16x128xf32, #tpu.memory_space<vmem>>, %arg13: memref<1x8xf32, #tpu.memory_space<vmem>>) attributes {dimension_semantics = [#tpu.dimension_semantics<arbitrary>], iteration_bounds = array<i64: 8>, scalar_prefetch = 0 : i64, scratch_operands = 0 : i64, tpu.core_type = #tpu.core_type<tc>, window_params = [{transform_indices = @transform_0, window_bounds = array<i64: 2400, 16>}, {transform_indices = @transform_1, window_bounds = array<i64: 2400, 128>}, {pipeline_mode = #tpu.pipeline_mode<synchronous>, transform_indices = @transform_2, window_bounds = array<i64: 1, 8>}, {pipeline_mode = #tpu.pipeline_mode<synchronous>, transform_indices = @transform_3, window_bounds = array<i64: 8, 8>}, {pipeline_mode = #tpu.pipeline_mode<synchronous>, transform_indices = @transform_4, window_bounds = array<i64: 1, 8>}, {pipeline_mode = #tpu.pipeline_mode<synchronous>, transform_indices = @transform_5, window_bounds = array<i64: 8, 8>}, {pipeline_mode = #tpu.pipeline_mode<synchronous>, transform_indices = @transform_6, window_bounds = array<i64: 1, 8>}, {pipeline_mode = #tpu.pipeline_mode<synchronous>, transform_indices = @transform_7, window_bounds = array<i64: 8, 8>}, {pipeline_mode = #tpu.pipeline_mode<synchronous>, transform_indices = @transform_8, window_bounds = array<i64: 1, 8>}, {pipeline_mode = #tpu.pipeline_mode<synchronous>, transform_indices = @transform_9, window_bounds = array<i64: 8, 8>}, {pipeline_mode = #tpu.pipeline_mode<synchronous>, transform_indices = @transform_10, window_bounds = array<i64: 1, 8>}, {pipeline_mode = #tpu.pipeline_mode<synchronous>, transform_indices = @transform_11, window_bounds = array<i64: 16, 128>}, {pipeline_mode = #tpu.pipeline_mode<synchronous>, transform_indices = @transform_12, window_bounds = array<i64: 1, 8>}]} {
    %eq3A = arith.constant 0 : i32
    %eq3A_0 = arith.cmpi eq, %arg0, %eq3A : i32
    %convert_element_type3A = arith.extui %eq3A_0 : i1 to i32
    %cond3A = arith.constant 0 : i32
    %cond3A_1 = arith.cmpi ne, %convert_element_type3A, %cond3A : i32
    scf.if %cond3A_1 {
      %broadcast_in_dim3A = arith.constant 0.000000e+00 : f32
      %broadcast_in_dim3A_18 = vector.broadcast %broadcast_in_dim3A : f32 to vector<16x128xf32>
      %swap3A_19 = arith.constant 0 : index
      %swap3A_20 = arith.constant 0 : index
      %swap3A_21 = vector.load %arg12[%swap3A_19, %swap3A_20] : memref<16x128xf32, #tpu.memory_space<vmem>>, vector<16x128xf32>
      tpu.vector_store %arg12[%swap3A_19, %swap3A_20], %broadcast_in_dim3A_18 {strides = array<i32>} : memref<16x128xf32, #tpu.memory_space<vmem>>, vector<16x128xf32>,
    } else {
    }
    %get3A = arith.constant 0 : index
    %get3A_2 = arith.constant 0 : index
    %get3A_3 = vector.load %arg1[%get3A, %get3A_2] : memref<2400x16xf32, #tpu.memory_space<vmem>>, vector<2400x16xf32>
    %get3A_4 = arith.constant 0 : index
    %get3A_5 = arith.constant 0 : index
    %get3A_6 = vector.load %arg2[%get3A_4, %get3A_5] : memref<2400x128xf32, #tpu.memory_space<vmem>>, vector<2400x128xf32>
    %get3A_7 = arith.constant 0 : index
    %get3A_8 = arith.constant 0 : index
    %get3A_9 = vector.load %arg12[%get3A_7, %get3A_8] : memref<16x128xf32, #tpu.memory_space<vmem>>, vector<16x128xf32>
    %dot_general3A = arith.constant dense<0.000000e+00> : vector<16x128xf32>
    %dot_general3A_10 = tpu.matmul %get3A_3, %get3A_6, %dot_general3A {dimension_numbers = #tpu.dot_dimension_numbers<[0], [0], [1], [1], [0, 1, 1, 1], [], []>, transpose_lhs_hint = false} : vector<2400x16xf32>, vector<2400x128xf32>, vector<16x128xf32> -> vector<16x128xf32>
    %add3A = arith.addf %get3A_9, %dot_general3A_10 : vector<16x128xf32>
    %swap3A = arith.constant 0 : index
    %swap3A_11 = arith.constant 0 : index
    %swap3A_12 = vector.load %arg12[%swap3A, %swap3A_11] : memref<16x128xf32, #tpu.memory_space<vmem>>, vector<16x128xf32>
    tpu.vector_store %arg12[%swap3A, %swap3A_11], %add3A {strides = array<i32>} : memref<16x128xf32, #tpu.memory_space<vmem>>, vector<16x128xf32>,
    %eq3A_13 = arith.constant 7 : i32
    %eq3A_14 = arith.cmpi eq, %arg0, %eq3A_13 : i32
    %convert_element_type3A_15 = arith.extui %eq3A_14 : i1 to i32
    %cond3A_16 = arith.constant 0 : i32
    %cond3A_17 = arith.cmpi ne, %convert_element_type3A_15, %cond3A_16 : i32
    scf.if %cond3A_17 {
      %iota3A = tpu.iota {dimensions = array<i32: 0>} : vector<16x128xi32>
      %iota3A_18 = tpu.iota {dimensions = array<i32: 1>} : vector<16x128xi32>
      %shift_right_arithmetic3A = arith.constant 3 : i32
      %shift_right_arithmetic3A_19 = vector.broadcast %shift_right_arithmetic3A : i32 to vector<16x128xi32>
      %shift_right_arithmetic3A_20 = arith.shrsi %iota3A_18, %shift_right_arithmetic3A_19 : vector<16x128xi32>
      %eq3A_21 = arith.cmpi eq, %shift_right_arithmetic3A_20, %iota3A : vector<16x128xi32>
      %get3A_22 = arith.constant 0 : index
      %get3A_23 = arith.constant 0 : index
      %get3A_24 = vector.load %arg12[%get3A_22, %get3A_23] : memref<16x128xf32, #tpu.memory_space<vmem>>, vector<16x128xf32>
      %jit3A = arith.constant 0.000000e+00 : f32
      %broadcast_in_dim3A = vector.broadcast %jit3A : f32 to vector<16x128xf32>
      %select_n3A = arith.select %eq3A_21, %get3A_24, %broadcast_in_dim3A : vector<16x128xi1>, vector<16x128xf32>
      %reduce_sum3A = arith.constant dense<0.000000e+00> : vector<128xf32>
      %reduce_sum3A_25 = vector.multi_reduction <add>, %select_n3A, %reduce_sum3A [0] : vector<16x128xf32> to vector<128xf32>
      %broadcast_in_dim3A_26 = vector.shape_cast %reduce_sum3A_25 : vector<128xf32> to vector<1x128xf32>
      %iota3A_27 = tpu.iota {dimensions = array<i32: 0>} : vector<128x8xi32>
      %iota3A_28 = tpu.iota {dimensions = array<i32: 1>} : vector<128x8xi32>
      %and3A = arith.constant 7 : i32
      %and3A_29 = vector.broadcast %and3A : i32 to vector<128x8xi32>
      %and3A_30 = arith.andi %iota3A_27, %and3A_29 : vector<128x8xi32>
      %eq3A_31 = arith.cmpi eq, %and3A_30, %iota3A_28 : vector<128x8xi32>
      %jit3A_32 = arith.constant 1.000000e+00 : f32
      %jit3A_33 = arith.constant 0.000000e+00 : f32
      %broadcast_in_dim3A_34 = vector.broadcast %jit3A_32 : f32 to vector<128x8xf32>
      %broadcast_in_dim3A_35 = vector.broadcast %jit3A_33 : f32 to vector<128x8xf32>
      %select_n3A_36 = arith.select %eq3A_31, %broadcast_in_dim3A_34, %broadcast_in_dim3A_35 : vector<128x8xi1>, vector<128x8xf32>
      %dot_general3A_37 = arith.constant dense<0.000000e+00> : vector<1x8xf32>
      %dot_general3A_38 = tpu.matmul %broadcast_in_dim3A_26, %select_n3A_36, %dot_general3A_37 {dimension_numbers = #tpu.dot_dimension_numbers<[1], [0], [0], [1], [0, 0, 1, 1], [], []>, transpose_lhs_hint = false} : vector<1x128xf32>, vector<128x8xf32>, vector<1x8xf32> -> vector<1x8xf32>
      %get3A_39 = arith.constant 0 : index
      %get3A_40 = arith.constant 0 : index
      %get3A_41 = vector.load %arg3[%get3A_39, %get3A_40] : memref<1x8xf32, #tpu.memory_space<vmem>>, vector<1x8xf32>
      %add3A_42 = arith.addf %dot_general3A_38, %get3A_41 : vector<1x8xf32>
      %sin3A = math.sin %add3A_42 : vector<1x8xf32>
      %get3A_43 = arith.constant 0 : index
      %get3A_44 = arith.constant 0 : index
      %get3A_45 = vector.load %arg4[%get3A_43, %get3A_44] : memref<8x8xf32, #tpu.memory_space<vmem>>, vector<8x8xf32>
      %dot_general3A_46 = arith.constant dense<0.000000e+00> : vector<1x8xf32>
      %dot_general3A_47 = tpu.matmul %sin3A, %get3A_45, %dot_general3A_46 {dimension_numbers = #tpu.dot_dimension_numbers<[1], [0], [0], [1], [0, 0, 1, 1], [], []>, transpose_lhs_hint = false} : vector<1x8xf32>, vector<8x8xf32>, vector<1x8xf32> -> vector<1x8xf32>
      %get3A_48 = arith.constant 0 : index
      %get3A_49 = arith.constant 0 : index
      %get3A_50 = vector.load %arg5[%get3A_48, %get3A_49] : memref<1x8xf32, #tpu.memory_space<vmem>>, vector<1x8xf32>
      %add3A_51 = arith.addf %dot_general3A_47, %get3A_50 : vector<1x8xf32>
      %sin3A_52 = math.sin %add3A_51 : vector<1x8xf32>
      %add3A_53 = arith.addf %sin3A, %sin3A_52 : vector<1x8xf32>
      %get3A_54 = arith.constant 0 : index
      %get3A_55 = arith.constant 0 : index
      %get3A_56 = vector.load %arg6[%get3A_54, %get3A_55] : memref<8x8xf32, #tpu.memory_space<vmem>>, vector<8x8xf32>
      %dot_general3A_57 = arith.constant dense<0.000000e+00> : vector<1x8xf32>
      %dot_general3A_58 = tpu.matmul %add3A_53, %get3A_56, %dot_general3A_57 {dimension_numbers = #tpu.dot_dimension_numbers<[1], [0], [0], [1], [0, 0, 1, 1], [], []>, transpose_lhs_hint = false} : vector<1x8xf32>, vector<8x8xf32>, vector<1x8xf32> -> vector<1x8xf32>
      %get3A_59 = arith.constant 0 : index
      %get3A_60 = arith.constant 0 : index
      %get3A_61 = vector.load %arg7[%get3A_59, %get3A_60] : memref<1x8xf32, #tpu.memory_space<vmem>>, vector<1x8xf32>
      %add3A_62 = arith.addf %dot_general3A_58, %get3A_61 : vector<1x8xf32>
      %sin3A_63 = math.sin %add3A_62 : vector<1x8xf32>
      %add3A_64 = arith.addf %add3A_53, %sin3A_63 : vector<1x8xf32>
      %get3A_65 = arith.constant 0 : index
      %get3A_66 = arith.constant 0 : index
      %get3A_67 = vector.load %arg8[%get3A_65, %get3A_66] : memref<8x8xf32, #tpu.memory_space<vmem>>, vector<8x8xf32>
      %dot_general3A_68 = arith.constant dense<0.000000e+00> : vector<1x8xf32>
      %dot_general3A_69 = tpu.matmul %add3A_64, %get3A_67, %dot_general3A_68 {dimension_numbers = #tpu.dot_dimension_numbers<[1], [0], [0], [1], [0, 0, 1, 1], [], []>, transpose_lhs_hint = false} : vector<1x8xf32>, vector<8x8xf32>, vector<1x8xf32> -> vector<1x8xf32>
      %get3A_70 = arith.constant 0 : index
      %get3A_71 = arith.constant 0 : index
      %get3A_72 = vector.load %arg9[%get3A_70, %get3A_71] : memref<1x8xf32, #tpu.memory_space<vmem>>, vector<1x8xf32>
      %add3A_73 = arith.addf %dot_general3A_69, %get3A_72 : vector<1x8xf32>
      %sin3A_74 = math.sin %add3A_73 : vector<1x8xf32>
      %add3A_75 = arith.addf %add3A_64, %sin3A_74 : vector<1x8xf32>
      %get3A_76 = arith.constant 0 : index
      %get3A_77 = arith.constant 0 : index
      %get3A_78 = vector.load %arg10[%get3A_76, %get3A_77] : memref<8x8xf32, #tpu.memory_space<vmem>>, vector<8x8xf32>
      %dot_general3A_79 = arith.constant dense<0.000000e+00> : vector<1x8xf32>
      %dot_general3A_80 = tpu.matmul %add3A_75, %get3A_78, %dot_general3A_79 {dimension_numbers = #tpu.dot_dimension_numbers<[1], [0], [0], [1], [0, 0, 1, 1], [], []>, transpose_lhs_hint = false} : vector<1x8xf32>, vector<8x8xf32>, vector<1x8xf32> -> vector<1x8xf32>
      %get3A_81 = arith.constant 0 : index
      %get3A_82 = arith.constant 0 : index
      %get3A_83 = vector.load %arg11[%get3A_81, %get3A_82] : memref<1x8xf32, #tpu.memory_space<vmem>>, vector<1x8xf32>
      %add3A_84 = arith.addf %dot_general3A_80, %get3A_83 : vector<1x8xf32>
      %sin3A_85 = math.sin %add3A_84 : vector<1x8xf32>
      %add3A_86 = arith.addf %add3A_75, %sin3A_85 : vector<1x8xf32>
      %swap3A_87 = arith.constant 0 : index
      %swap3A_88 = arith.constant 0 : index
      %swap3A_89 = vector.load %arg13[%swap3A_87, %swap3A_88] : memref<1x8xf32, #tpu.memory_space<vmem>>, vector<1x8xf32>
      tpu.vector_store %arg13[%swap3A_87, %swap3A_88], %add3A_86 {strides = array<i32>} : memref<1x8xf32, #tpu.memory_space<vmem>>, vector<1x8xf32>,
    } else {
    }
    return
  }
  func.func @transform_0(%arg0: i32) -> (i32, i32) {
    %c0_i32 = arith.constant 0 : i32
    %c0_i32_0 = arith.constant 0 : i32
    return %arg0, %c0_i32 : i32, i32
  }
  func.func @transform_1(%arg0: i32) -> (i32, i32) {
    %c0_i32 = arith.constant 0 : i32
    %c0_i32_0 = arith.constant 0 : i32
    return %arg0, %c0_i32 : i32, i32
  }
  func.func @transform_2(%arg0: i32) -> (i32, i32) {
    %c0_i32 = arith.constant 0 : i32
    %c0_i32_0 = arith.constant 0 : i32
    %c0_i32_1 = arith.constant 0 : i32
    return %c0_i32, %c0_i32_0 : i32, i32
  }
  func.func @transform_3(%arg0: i32) -> (i32, i32) {
    %c0_i32 = arith.constant 0 : i32
    %c0_i32_0 = arith.constant 0 : i32
    %c0_i32_1 = arith.constant 0 : i32
    return %c0_i32, %c0_i32_0 : i32, i32
  }
  func.func @transform_4(%arg0: i32) -> (i32, i32) {
    %c0_i32 = arith.constant 0 : i32
    %c0_i32_0 = arith.constant 0 : i32
    %c0_i32_1 = arith.constant 0 : i32
    return %c0_i32, %c0_i32_0 : i32, i32
  }
  func.func @transform_5(%arg0: i32) -> (i32, i32) {
    %c0_i32 = arith.constant 0 : i32
    %c0_i32_0 = arith.constant 0 : i32
    %c0_i32_1 = arith.constant 0 : i32
    return %c0_i32, %c0_i32_0 : i32, i32
  }
  func.func @transform_6(%arg0: i32) -> (i32, i32) {
    %c0_i32 = arith.constant 0 : i32
    %c0_i32_0 = arith.constant 0 : i32
    %c0_i32_1 = arith.constant 0 : i32
    return %c0_i32, %c0_i32_0 : i32, i32
  }
  func.func @transform_7(%arg0: i32) -> (i32, i32) {
    %c0_i32 = arith.constant 0 : i32
    %c0_i32_0 = arith.constant 0 : i32
    %c0_i32_1 = arith.constant 0 : i32
    return %c0_i32, %c0_i32_0 : i32, i32
  }
  func.func @transform_8(%arg0: i32) -> (i32, i32) {
    %c0_i32 = arith.constant 0 : i32
    %c0_i32_0 = arith.constant 0 : i32
    %c0_i32_1 = arith.constant 0 : i32
    return %c0_i32, %c0_i32_0 : i32, i32
  }
  func.func @transform_9(%arg0: i32) -> (i32, i32) {
    %c0_i32 = arith.constant 0 : i32
    %c0_i32_0 = arith.constant 0 : i32
    %c0_i32_1 = arith.constant 0 : i32
    return %c0_i32, %c0_i32_0 : i32, i32
  }
  func.func @transform_10(%arg0: i32) -> (i32, i32) {
    %c0_i32 = arith.constant 0 : i32
    %c0_i32_0 = arith.constant 0 : i32
    %c0_i32_1 = arith.constant 0 : i32
    return %c0_i32, %c0_i32_0 : i32, i32
  }
  func.func @transform_11(%arg0: i32) -> (i32, i32) {
    %c0_i32 = arith.constant 0 : i32
    %c0_i32_0 = arith.constant 0 : i32
    %c0_i32_1 = arith.constant 0 : i32
    return %c0_i32, %c0_i32_0 : i32, i32
  }
  func.func @transform_12(%arg0: i32) -> (i32, i32) {
    %c0_i32 = arith.constant 0 : i32
    %c0_i32_0 = arith.constant 0 : i32
    %c0_i32_1 = arith.constant 0 : i32
    return %c0_i32, %c0_i32_0 : i32, i32
  }
}

module attributes {stable_mosaic.version = 14 : i64} {
  func.func @_expand_kernel(%arg0: i32, %arg1: memref<1x8xf32, #tpu.memory_space<vmem>>, %arg2: memref<8x8192xf32, #tpu.memory_space<vmem>>, %arg3: memref<64x128xf32, #tpu.memory_space<vmem>>) attributes {dimension_semantics = [#tpu.dimension_semantics<arbitrary>], iteration_bounds = array<i64: 49>, scalar_prefetch = 0 : i64, scratch_operands = 0 : i64, tpu.core_type = #tpu.core_type<tc>, window_params = [{pipeline_mode = #tpu.pipeline_mode<synchronous>, transform_indices = @transform_0, window_bounds = array<i64: 1, 8>}, {transform_indices = @transform_1, window_bounds = array<i64: 8, 8192>}, {transform_indices = @transform_2, window_bounds = array<i64: 64, 128>}]} {
    %get3A = arith.constant 0 : index
    %get3A_0 = arith.constant 0 : index
    %get3A_1 = vector.load %arg1[%get3A, %get3A_0] : memref<1x8xf32, #tpu.memory_space<vmem>>, vector<1x8xf32>
    %get3A_2 = arith.constant 0 : index
    %get3A_3 = arith.constant 0 : index
    %get3A_4 = vector.load %arg2[%get3A_2, %get3A_3] : memref<8x8192xf32, #tpu.memory_space<vmem>>, vector<8x8192xf32>
    %dot_general3A = arith.constant dense<0.000000e+00> : vector<1x8192xf32>
    %dot_general3A_5 = tpu.matmul %get3A_1, %get3A_4, %dot_general3A {dimension_numbers = #tpu.dot_dimension_numbers<[1], [0], [0], [1], [0, 0, 1, 1], [], []>, transpose_lhs_hint = false} : vector<1x8xf32>, vector<8x8192xf32>, vector<1x8192xf32> -> vector<1x8192xf32>
    %reshape3A = vector.shape_cast %dot_general3A_5 : vector<1x8192xf32> to vector<64x128xf32>
    %swap3A = arith.constant 0 : index
    %swap3A_6 = arith.constant 0 : index
    %swap3A_7 = vector.load %arg3[%swap3A, %swap3A_6] : memref<64x128xf32, #tpu.memory_space<vmem>>, vector<64x128xf32>
    tpu.vector_store %arg3[%swap3A, %swap3A_6], %reshape3A {strides = array<i32>} : memref<64x128xf32, #tpu.memory_space<vmem>>, vector<64x128xf32>,
    return
  }
  func.func @transform_0(%arg0: i32) -> (i32, i32) {
    %c0_i32 = arith.constant 0 : i32
    %c0_i32_0 = arith.constant 0 : i32
    %c0_i32_1 = arith.constant 0 : i32
    return %c0_i32, %c0_i32_0 : i32, i32
  }
  func.func @transform_1(%arg0: i32) -> (i32, i32) {
    %c0_i32 = arith.constant 0 : i32
    %c0_i32_0 = arith.constant 0 : i32
    return %c0_i32, %arg0 : i32, i32
  }
  func.func @transform_2(%arg0: i32) -> (i32, i32) {
    %c0_i32 = arith.constant 0 : i32
    %c0_i32_0 = arith.constant 0 : i32
    return %arg0, %c0_i32 : i32, i32
  }
}

module attributes {stable_mosaic.version = 14 : i64} {
  func.func @_corners_kernel(%arg0: i32, %arg1: memref<4x2048xf32, #tpu.memory_space<vmem>>, %arg2: memref<2048x3xi32, #tpu.memory_space<vmem>>, %arg3: memref<1x2048xf32, #tpu.memory_space<vmem>>, %arg4: memref<16x2048xi32, #tpu.memory_space<vmem>>, %arg5: memref<16x2048xf32, #tpu.memory_space<vmem>>) attributes {dimension_semantics = [#tpu.dimension_semantics<arbitrary>], iteration_bounds = array<i64: 49>, scalar_prefetch = 0 : i64, scratch_operands = 0 : i64, tpu.core_type = #tpu.core_type<tc>, window_params = [{transform_indices = @transform_0, window_bounds = array<i64: 4, 2048>}, {transform_indices = @transform_1, window_bounds = array<i64: 2048, 3>}, {transform_indices = @transform_2, window_bounds = array<i64: 1, 2048>}, {transform_indices = @transform_3, window_bounds = array<i64: 16, 2048>}, {transform_indices = @transform_4, window_bounds = array<i64: 16, 2048>}]} {
    %get3A = arith.constant 0 : index
    %get3A_0 = arith.constant 0 : index
    %get3A_1 = vector.load %arg1[%get3A, %get3A_0] : memref<4x2048xf32, #tpu.memory_space<vmem>>, vector<1x2048xf32>
    %get3A_2 = arith.constant 1 : index
    %get3A_3 = arith.constant 0 : index
    %get3A_4 = vector.load %arg1[%get3A_2, %get3A_3] : memref<4x2048xf32, #tpu.memory_space<vmem>>, vector<1x2048xf32>
    %get3A_5 = arith.constant 2 : index
    %get3A_6 = arith.constant 0 : index
    %get3A_7 = vector.load %arg1[%get3A_5, %get3A_6] : memref<4x2048xf32, #tpu.memory_space<vmem>>, vector<1x2048xf32>
    %get3A_8 = arith.constant 3 : index
    %get3A_9 = arith.constant 0 : index
    %get3A_10 = vector.load %arg1[%get3A_8, %get3A_9] : memref<4x2048xf32, #tpu.memory_space<vmem>>, vector<1x2048xf32>
    %get3A_11 = arith.constant 0 : index
    %get3A_12 = arith.constant 0 : index
    %get3A_13 = vector.load %arg2[%get3A_11, %get3A_12] : memref<2048x3xi32, #tpu.memory_space<vmem>>, vector<2048x3xi32>
    %transpose3A = tpu.transpose %get3A_13, [1, 0] : vector<2048x3xi32> -> vector<3x2048xi32>
    %get3A_14 = arith.constant 0 : index
    %get3A_15 = arith.constant 0 : index
    %get3A_16 = vector.load %arg3[%get3A_14, %get3A_15] : memref<1x2048xf32, #tpu.memory_space<vmem>>, vector<1x2048xf32>
    %add3A = arith.addf %get3A_16, %get3A_10 : vector<1x2048xf32>
    %max3A = arith.constant 0.000000e+00 : f32
    %max3A_17 = vector.broadcast %max3A : f32 to vector<1x2048xf32>
    %max3A_18 = arith.maximumf %add3A, %max3A_17 : vector<1x2048xf32>
    %slice3A = vector.extract_strided_slice %transpose3A {offsets = [2, 0], sizes = [1, 2048], strides = [1, 1]} : vector<3x2048xi32> to vector<1x2048xi32>
    %convert_element_type3A = arith.sitofp %slice3A : vector<1x2048xi32> to vector<1x2048xf32>
    %mul3A = arith.constant 6.400000e+01 : f32
    %mul3A_19 = vector.broadcast %mul3A : f32 to vector<1x2048xf32>
    %mul3A_20 = arith.mulf %mul3A_19, %get3A_1 : vector<1x2048xf32>
    %add3A_21 = arith.addf %convert_element_type3A, %mul3A_20 : vector<1x2048xf32>
    %floor3A = math.floor %add3A_21 : vector<1x2048xf32>
    %sub3A = arith.subf %add3A_21, %floor3A : vector<1x2048xf32>
    %convert_element_type3A_22 = arith.fptosi %floor3A : vector<1x2048xf32> to vector<1x2048xi32>
    %slice3A_23 = vector.extract_strided_slice %transpose3A {offsets = [1, 0], sizes = [1, 2048], strides = [1, 1]} : vector<3x2048xi32> to vector<1x2048xi32>
    %convert_element_type3A_24 = arith.sitofp %slice3A_23 : vector<1x2048xi32> to vector<1x2048xf32>
    %mul3A_25 = arith.constant 6.400000e+01 : f32
    %mul3A_26 = vector.broadcast %mul3A_25 : f32 to vector<1x2048xf32>
    %mul3A_27 = arith.mulf %mul3A_26, %get3A_4 : vector<1x2048xf32>
    %add3A_28 = arith.addf %convert_element_type3A_24, %mul3A_27 : vector<1x2048xf32>
    %floor3A_29 = math.floor %add3A_28 : vector<1x2048xf32>
    %sub3A_30 = arith.subf %add3A_28, %floor3A_29 : vector<1x2048xf32>
    %convert_element_type3A_31 = arith.fptosi %floor3A_29 : vector<1x2048xf32> to vector<1x2048xi32>
    %slice3A_32 = vector.extract_strided_slice %transpose3A {offsets = [0, 0], sizes = [1, 2048], strides = [1, 1]} : vector<3x2048xi32> to vector<1x2048xi32>
    %convert_element_type3A_33 = arith.sitofp %slice3A_32 : vector<1x2048xi32> to vector<1x2048xf32>
    %mul3A_34 = arith.constant 6.400000e+01 : f32
    %mul3A_35 = vector.broadcast %mul3A_34 : f32 to vector<1x2048xf32>
    %mul3A_36 = arith.mulf %mul3A_35, %get3A_7 : vector<1x2048xf32>
    %add3A_37 = arith.addf %convert_element_type3A_33, %mul3A_36 : vector<1x2048xf32>
    %floor3A_38 = math.floor %add3A_37 : vector<1x2048xf32>
    %sub3A_39 = arith.subf %add3A_37, %floor3A_38 : vector<1x2048xf32>
    %convert_element_type3A_40 = arith.fptosi %floor3A_38 : vector<1x2048xf32> to vector<1x2048xi32>
    %iota3A = tpu.iota {dimensions = array<i32: 0>} : vector<8x1xi32>
    %eq3A = arith.constant 1 : i32
    %eq3A_41 = vector.broadcast %eq3A : i32 to vector<8x1xi32>
    %eq3A_42 = arith.cmpi eq, %iota3A, %eq3A_41 : vector<8x1xi32>
    %ge3A = arith.constant 5 : i32
    %ge3A_43 = vector.broadcast %ge3A : i32 to vector<8x1xi32>
    %ge3A_44 = arith.cmpi sge, %iota3A, %ge3A_43 : vector<8x1xi32>
    %or3A = arith.ori %eq3A_42, %ge3A_44 : vector<8x1xi1>
    %eq3A_45 = arith.constant 2 : i32
    %eq3A_46 = vector.broadcast %eq3A_45 : i32 to vector<8x1xi32>
    %eq3A_47 = arith.cmpi eq, %iota3A, %eq3A_46 : vector<8x1xi32>
    %eq3A_48 = arith.constant 4 : i32
    %eq3A_49 = vector.broadcast %eq3A_48 : i32 to vector<8x1xi32>
    %eq3A_50 = arith.cmpi eq, %iota3A, %eq3A_49 : vector<8x1xi32>
    %or3A_51 = arith.ori %eq3A_47, %eq3A_50 : vector<8x1xi1>
    %ge3A_52 = arith.constant 6 : i32
    %ge3A_53 = vector.broadcast %ge3A_52 : i32 to vector<8x1xi32>
    %ge3A_54 = arith.cmpi sge, %iota3A, %ge3A_53 : vector<8x1xi32>
    %or3A_55 = arith.ori %or3A_51, %ge3A_54 : vector<8x1xi1>
    %eq3A_56 = arith.constant 3 : i32
    %eq3A_57 = vector.broadcast %eq3A_56 : i32 to vector<8x1xi32>
    %eq3A_58 = arith.cmpi eq, %iota3A, %eq3A_57 : vector<8x1xi32>
    %eq3A_59 = arith.constant 4 : i32
    %eq3A_60 = vector.broadcast %eq3A_59 : i32 to vector<8x1xi32>
    %eq3A_61 = arith.cmpi eq, %iota3A, %eq3A_60 : vector<8x1xi32>
    %or3A_62 = arith.ori %eq3A_58, %eq3A_61 : vector<8x1xi1>
    %eq3A_63 = arith.constant 5 : i32
    %eq3A_64 = vector.broadcast %eq3A_63 : i32 to vector<8x1xi32>
    %eq3A_65 = arith.cmpi eq, %iota3A, %eq3A_64 : vector<8x1xi32>
    %or3A_66 = arith.ori %or3A_62, %eq3A_65 : vector<8x1xi1>
    %eq3A_67 = arith.constant 7 : i32
    %eq3A_68 = vector.broadcast %eq3A_67 : i32 to vector<8x1xi32>
    %eq3A_69 = arith.cmpi eq, %iota3A, %eq3A_68 : vector<8x1xi32>
    %or3A_70 = arith.ori %or3A_66, %eq3A_69 : vector<8x1xi1>
    %sub3A_71 = arith.constant 1.000000e+00 : f32
    %sub3A_72 = vector.broadcast %sub3A_71 : f32 to vector<1x2048xf32>
    %sub3A_73 = arith.subf %sub3A_72, %sub3A : vector<1x2048xf32>
    %broadcast_in_dim3A = vector.shape_cast %or3A : vector<8x1xi1> to vector<8x1xi1>
    %broadcast_in_dim3A_74 = vector.broadcast %broadcast_in_dim3A : vector<8x1xi1> to vector<8x2048xi1>
    %broadcast_in_dim3A_75 = vector.shape_cast %sub3A : vector<1x2048xf32> to vector<1x2048xf32>
    %broadcast_in_dim3A_76 = vector.broadcast %broadcast_in_dim3A_75 : vector<1x2048xf32> to vector<8x2048xf32>
    %broadcast_in_dim3A_77 = vector.shape_cast %sub3A_73 : vector<1x2048xf32> to vector<1x2048xf32>
    %broadcast_in_dim3A_78 = vector.broadcast %broadcast_in_dim3A_77 : vector<1x2048xf32> to vector<8x2048xf32>
    %select_n3A = arith.select %broadcast_in_dim3A_74, %broadcast_in_dim3A_76, %broadcast_in_dim3A_78 : vector<8x2048xi1>, vector<8x2048xf32>
    %sub3A_79 = arith.constant 1.000000e+00 : f32
    %sub3A_80 = vector.broadcast %sub3A_79 : f32 to vector<1x2048xf32>
    %sub3A_81 = arith.subf %sub3A_80, %sub3A_30 : vector<1x2048xf32>
    %broadcast_in_dim3A_82 = vector.shape_cast %or3A_55 : vector<8x1xi1> to vector<8x1xi1>
    %broadcast_in_dim3A_83 = vector.broadcast %broadcast_in_dim3A_82 : vector<8x1xi1> to vector<8x2048xi1>
    %broadcast_in_dim3A_84 = vector.shape_cast %sub3A_30 : vector<1x2048xf32> to vector<1x2048xf32>
    %broadcast_in_dim3A_85 = vector.broadcast %broadcast_in_dim3A_84 : vector<1x2048xf32> to vector<8x2048xf32>
    %broadcast_in_dim3A_86 = vector.shape_cast %sub3A_81 : vector<1x2048xf32> to vector<1x2048xf32>
    %broadcast_in_dim3A_87 = vector.broadcast %broadcast_in_dim3A_86 : vector<1x2048xf32> to vector<8x2048xf32>
    %select_n3A_88 = arith.select %broadcast_in_dim3A_83, %broadcast_in_dim3A_85, %broadcast_in_dim3A_87 : vector<8x2048xi1>, vector<8x2048xf32>
    %mul3A_89 = arith.mulf %select_n3A, %select_n3A_88 : vector<8x2048xf32>
    %sub3A_90 = arith.constant 1.000000e+00 : f32
    %sub3A_91 = vector.broadcast %sub3A_90 : f32 to vector<1x2048xf32>
    %sub3A_92 = arith.subf %sub3A_91, %sub3A_39 : vector<1x2048xf32>
    %broadcast_in_dim3A_93 = vector.shape_cast %or3A_70 : vector<8x1xi1> to vector<8x1xi1>
    %broadcast_in_dim3A_94 = vector.broadcast %broadcast_in_dim3A_93 : vector<8x1xi1> to vector<8x2048xi1>
    %broadcast_in_dim3A_95 = vector.shape_cast %sub3A_39 : vector<1x2048xf32> to vector<1x2048xf32>
    %broadcast_in_dim3A_96 = vector.broadcast %broadcast_in_dim3A_95 : vector<1x2048xf32> to vector<8x2048xf32>
    %broadcast_in_dim3A_97 = vector.shape_cast %sub3A_92 : vector<1x2048xf32> to vector<1x2048xf32>
    %broadcast_in_dim3A_98 = vector.broadcast %broadcast_in_dim3A_97 : vector<1x2048xf32> to vector<8x2048xf32>
    %select_n3A_99 = arith.select %broadcast_in_dim3A_94, %broadcast_in_dim3A_96, %broadcast_in_dim3A_98 : vector<8x2048xi1>, vector<8x2048xf32>
    %mul3A_100 = arith.mulf %mul3A_89, %select_n3A_99 : vector<8x2048xf32>
    %mul3A_101 = vector.broadcast %max3A_18 : vector<1x2048xf32> to vector<8x2048xf32>
    %mul3A_102 = arith.mulf %mul3A_101, %mul3A_100 : vector<8x2048xf32>
    %convert_element_type3A_103 = arith.extui %or3A : vector<8x1xi1> to vector<8x1xi32>
    %add3A_104 = vector.broadcast %convert_element_type3A_22 : vector<1x2048xi32> to vector<8x2048xi32>
    %add3A_105 = vector.broadcast %convert_element_type3A_103 : vector<8x1xi32> to vector<8x2048xi32>
    %add3A_106 = arith.addi %add3A_104, %add3A_105 : vector<8x2048xi32>
    %convert_element_type3A_107 = arith.extui %or3A_55 : vector<8x1xi1> to vector<8x1xi32>
    %add3A_108 = vector.broadcast %convert_element_type3A_31 : vector<1x2048xi32> to vector<8x2048xi32>
    %add3A_109 = vector.broadcast %convert_element_type3A_107 : vector<8x1xi32> to vector<8x2048xi32>
    %add3A_110 = arith.addi %add3A_108, %add3A_109 : vector<8x2048xi32>
    %convert_element_type3A_111 = arith.extui %or3A_70 : vector<8x1xi1> to vector<8x1xi32>
    %add3A_112 = vector.broadcast %convert_element_type3A_40 : vector<1x2048xi32> to vector<8x2048xi32>
    %add3A_113 = vector.broadcast %convert_element_type3A_111 : vector<8x1xi32> to vector<8x2048xi32>
    %add3A_114 = arith.addi %add3A_112, %add3A_113 : vector<8x2048xi32>
    %ge3A_115 = arith.constant 0 : i32
    %ge3A_116 = vector.broadcast %ge3A_115 : i32 to vector<8x2048xi32>
    %ge3A_117 = arith.cmpi sge, %add3A_106, %ge3A_116 : vector<8x2048xi32>
    %lt3A = arith.constant 128 : i32
    %lt3A_118 = vector.broadcast %lt3A : i32 to vector<8x2048xi32>
    %lt3A_119 = arith.cmpi slt, %add3A_106, %lt3A_118 : vector<8x2048xi32>
    %and3A = arith.andi %ge3A_117, %lt3A_119 : vector<8x2048xi1>
    %ge3A_120 = arith.constant 0 : i32
    %ge3A_121 = vector.broadcast %ge3A_120 : i32 to vector<8x2048xi32>
    %ge3A_122 = arith.cmpi sge, %add3A_110, %ge3A_121 : vector<8x2048xi32>
    %and3A_123 = arith.andi %and3A, %ge3A_122 : vector<8x2048xi1>
    %lt3A_124 = arith.constant 128 : i32
    %lt3A_125 = vector.broadcast %lt3A_124 : i32 to vector<8x2048xi32>
    %lt3A_126 = arith.cmpi slt, %add3A_110, %lt3A_125 : vector<8x2048xi32>
    %and3A_127 = arith.andi %and3A_123, %lt3A_126 : vector<8x2048xi1>
    %ge3A_128 = arith.constant 0 : i32
    %ge3A_129 = vector.broadcast %ge3A_128 : i32 to vector<8x2048xi32>
    %ge3A_130 = arith.cmpi sge, %add3A_114, %ge3A_129 : vector<8x2048xi32>
    %and3A_131 = arith.andi %and3A_127, %ge3A_130 : vector<8x2048xi1>
    %lt3A_132 = arith.constant 128 : i32
    %lt3A_133 = vector.broadcast %lt3A_132 : i32 to vector<8x2048xi32>
    %lt3A_134 = arith.cmpi slt, %add3A_114, %lt3A_133 : vector<8x2048xi32>
    %and3A_135 = arith.andi %and3A_131, %lt3A_134 : vector<8x2048xi1>
    %jit3A = arith.constant 0 : i32
    %jit3A_136 = arith.constant 127 : i32
    %max3A_137 = vector.broadcast %jit3A : i32 to vector<8x2048xi32>
    %max3A_138 = arith.maxsi %max3A_137, %add3A_106 : vector<8x2048xi32>
    %min3A = vector.broadcast %jit3A_136 : i32 to vector<8x2048xi32>
    %min3A_139 = arith.minsi %min3A, %max3A_138 : vector<8x2048xi32>
    %jit3A_140 = arith.constant 0 : i32
    %jit3A_141 = arith.constant 127 : i32
    %max3A_142 = vector.broadcast %jit3A_140 : i32 to vector<8x2048xi32>
    %max3A_143 = arith.maxsi %max3A_142, %add3A_110 : vector<8x2048xi32>
    %min3A_144 = vector.broadcast %jit3A_141 : i32 to vector<8x2048xi32>
    %min3A_145 = arith.minsi %min3A_144, %max3A_143 : vector<8x2048xi32>
    %jit3A_146 = arith.constant 0 : i32
    %jit3A_147 = arith.constant 127 : i32
    %max3A_148 = vector.broadcast %jit3A_146 : i32 to vector<8x2048xi32>
    %max3A_149 = arith.maxsi %max3A_148, %add3A_114 : vector<8x2048xi32>
    %min3A_150 = vector.broadcast %jit3A_147 : i32 to vector<8x2048xi32>
    %min3A_151 = arith.minsi %min3A_150, %max3A_149 : vector<8x2048xi32>
    %mul3A_152 = arith.constant 128 : i32
    %mul3A_153 = vector.broadcast %mul3A_152 : i32 to vector<8x2048xi32>
    %mul3A_154 = arith.muli %min3A_151, %mul3A_153 : vector<8x2048xi32>
    %add3A_155 = arith.addi %mul3A_154, %min3A_145 : vector<8x2048xi32>
    %mul3A_156 = arith.constant 128 : i32
    %mul3A_157 = vector.broadcast %mul3A_156 : i32 to vector<8x2048xi32>
    %mul3A_158 = arith.muli %add3A_155, %mul3A_157 : vector<8x2048xi32>
    %add3A_159 = arith.addi %mul3A_158, %min3A_139 : vector<8x2048xi32>
    %mul3A_160 = arith.constant 2048 : i32
    %mul3A_161 = arith.muli %arg0, %mul3A_160 : i32
    %iota3A_162 = tpu.iota {dimensions = array<i32: 1>} : vector<1x2048xi32>
    %add3A_163 = vector.broadcast %mul3A_161 : i32 to vector<1x2048xi32>
    %add3A_164 = arith.addi %add3A_163, %iota3A_162 : vector<1x2048xi32>
    %lt3A_165 = arith.constant 100000 : i32
    %lt3A_166 = vector.broadcast %lt3A_165 : i32 to vector<1x2048xi32>
    %lt3A_167 = arith.cmpi slt, %add3A_164, %lt3A_166 : vector<1x2048xi32>
    %mul3A_168 = arith.constant 37 : i32
    %mul3A_169 = vector.broadcast %mul3A_168 : i32 to vector<1x2048xi32>
    %mul3A_170 = arith.muli %add3A_164, %mul3A_169 : vector<1x2048xi32>
    %add3A_171 = arith.constant 11 : i32
    %add3A_172 = vector.broadcast %add3A_171 : i32 to vector<1x2048xi32>
    %add3A_173 = arith.addi %mul3A_170, %add3A_172 : vector<1x2048xi32>
    %and3A_174 = arith.constant 2097151 : i32
    %and3A_175 = vector.broadcast %and3A_174 : i32 to vector<1x2048xi32>
    %and3A_176 = arith.andi %add3A_173, %and3A_175 : vector<1x2048xi32>
    %broadcast_in_dim3A_177 = vector.shape_cast %lt3A_167 : vector<1x2048xi1> to vector<1x2048xi1>
    %broadcast_in_dim3A_178 = vector.broadcast %broadcast_in_dim3A_177 : vector<1x2048xi1> to vector<8x2048xi1>
    %broadcast_in_dim3A_179 = vector.shape_cast %and3A_176 : vector<1x2048xi32> to vector<1x2048xi32>
    %broadcast_in_dim3A_180 = vector.broadcast %broadcast_in_dim3A_179 : vector<1x2048xi32> to vector<8x2048xi32>
    %select_n3A_181 = arith.select %broadcast_in_dim3A_178, %add3A_159, %broadcast_in_dim3A_180 : vector<8x2048xi1>, vector<8x2048xi32>
    %and3A_182 = vector.broadcast %lt3A_167 : vector<1x2048xi1> to vector<8x2048xi1>
    %and3A_183 = arith.andi %and3A_135, %and3A_182 : vector<8x2048xi1>
    %jit3A_184 = arith.constant 0.000000e+00 : f32
    %broadcast_in_dim3A_185 = vector.broadcast %jit3A_184 : f32 to vector<8x2048xf32>
    %select_n3A_186 = arith.select %and3A_183, %mul3A_102, %broadcast_in_dim3A_185 : vector<8x2048xi1>, vector<8x2048xf32>
    %lt3A_187 = arith.constant 1048576 : i32
    %lt3A_188 = vector.broadcast %lt3A_187 : i32 to vector<8x2048xi32>
    %lt3A_189 = arith.cmpi slt, %select_n3A_181, %lt3A_188 : vector<8x2048xi32>
    %and3A_190 = arith.constant 1048575 : i32
    %and3A_191 = vector.broadcast %and3A_190 : i32 to vector<8x2048xi32>
    %and3A_192 = arith.andi %select_n3A_181, %and3A_191 : vector<8x2048xi32>
    %select_n3A_193 = arith.select %lt3A_189, %select_n3A_181, %and3A_192 : vector<8x2048xi1>, vector<8x2048xi32>
    %sub3A_194 = arith.constant 1048576 : i32
    %sub3A_195 = vector.broadcast %sub3A_194 : i32 to vector<8x2048xi32>
    %sub3A_196 = arith.subi %select_n3A_181, %sub3A_195 : vector<8x2048xi32>
    %select_n3A_197 = arith.select %lt3A_189, %and3A_192, %sub3A_196 : vector<8x2048xi1>, vector<8x2048xi32>
    %concatenate3A = tpu.concatenate %select_n3A_193, %select_n3A_197 in 0 : vector<8x2048xi32>, vector<8x2048xi32> -> vector<16x2048xi32>
    %swap3A = arith.constant 0 : index
    %swap3A_198 = arith.constant 0 : index
    %swap3A_199 = vector.load %arg4[%swap3A, %swap3A_198] : memref<16x2048xi32, #tpu.memory_space<vmem>>, vector<16x2048xi32>
    tpu.vector_store %arg4[%swap3A, %swap3A_198], %concatenate3A {strides = array<i32>} : memref<16x2048xi32, #tpu.memory_space<vmem>>, vector<16x2048xi32>,
    %jit3A_200 = arith.constant 0.000000e+00 : f32
    %broadcast_in_dim3A_201 = vector.broadcast %jit3A_200 : f32 to vector<8x2048xf32>
    %select_n3A_202 = arith.select %lt3A_189, %select_n3A_186, %broadcast_in_dim3A_201 : vector<8x2048xi1>, vector<8x2048xf32>
    %jit3A_203 = arith.constant 0.000000e+00 : f32
    %broadcast_in_dim3A_204 = vector.broadcast %jit3A_203 : f32 to vector<8x2048xf32>
    %select_n3A_205 = arith.select %lt3A_189, %broadcast_in_dim3A_204, %select_n3A_186 : vector<8x2048xi1>, vector<8x2048xf32>
    %concatenate3A_206 = tpu.concatenate %select_n3A_202, %select_n3A_205 in 0 : vector<8x2048xf32>, vector<8x2048xf32> -> vector<16x2048xf32>
    %swap3A_207 = arith.constant 0 : index
    %swap3A_208 = arith.constant 0 : index
    %swap3A_209 = vector.load %arg5[%swap3A_207, %swap3A_208] : memref<16x2048xf32, #tpu.memory_space<vmem>>, vector<16x2048xf32>
    tpu.vector_store %arg5[%swap3A_207, %swap3A_208], %concatenate3A_206 {strides = array<i32>} : memref<16x2048xf32, #tpu.memory_space<vmem>>, vector<16x2048xf32>,
    return
  }
  func.func @transform_0(%arg0: i32) -> (i32, i32) {
    %c0_i32 = arith.constant 0 : i32
    %c0_i32_0 = arith.constant 0 : i32
    return %c0_i32, %arg0 : i32, i32
  }
  func.func @transform_1(%arg0: i32) -> (i32, i32) {
    %c0_i32 = arith.constant 0 : i32
    %c0_i32_0 = arith.constant 0 : i32
    return %arg0, %c0_i32 : i32, i32
  }
  func.func @transform_2(%arg0: i32) -> (i32, i32) {
    %c0_i32 = arith.constant 0 : i32
    %c0_i32_0 = arith.constant 0 : i32
    return %c0_i32, %arg0 : i32, i32
  }
  func.func @transform_3(%arg0: i32) -> (i32, i32) {
    %c0_i32 = arith.constant 0 : i32
    %c0_i32_0 = arith.constant 0 : i32
    return %c0_i32, %arg0 : i32, i32
  }
  func.func @transform_4(%arg0: i32) -> (i32, i32) {
    %c0_i32 = arith.constant 0 : i32
    %c0_i32_0 = arith.constant 0 : i32
    return %c0_i32, %arg0 : i32, i32
  }
}

</mosaic_0001>

<sc_bundles>
// kernel: kernel.6.cloned.1.call-start
scs
__scs_entry_jumppad:
0x0: {  	(pc) =	sbr.rel $0x88, $3  }
0x1: {  	(tag) =	ssettag $0x0;
	lr =	simm.s32 $0x1  }
0x2: {  	[smem:$0x3F93] =	sst lr;
	_ =	strace $0xD0000000  }
0x3: {  	_ = 	snop  }
0x4: {  	_ = 	snop  }
0x5: {  	_ = 	snop  }
0x6: {  	_ = 	snop  }
0x7: {  	_ = 	snop  }
__scs_overlays_trampoline_lowered:
0x8: {  	[smem:$0x3FA2] =	sst s0  }
0x9: {  	[smem:$0x3FA3] =	sst s1  }
0xa: {  	[smem:$0x3FA4] =	sst s2  }
0xb: {  	[smem:$0x3FA5] =	sst s3  }
0xc: {  	[smem:$0x3FA6] =	sst s4  }
0xd: {  	[smem:$0x3FA7] =	sst s5  }
0xe: {  	[smem:$0x3FA8] =	sst s6  }
0xf: {  	[smem:$0x3FA9] =	sst s7  }
0x10: {  	[smem:$0x3FAA] =	sst s8  }
0x11: {  	[smem:$0x3FAB] =	sst s9;
	s0 =	simm.s32 @!p0 $0x0  }
0x12: {  	s1 =	sld [smem:$0x3F91];
	s0 =	simm.s32 @p0 $0x1  }
0x13: {  	[smem:$0x3FAC] =	sst s0;
	s0 =	simm.s32 @!p1 $0x0  }
0x14: {  	s2 =	sld [smem:$0x3F90];
	s0 =	simm.s32 @p1 $0x1  }
0x15: {  	[smem:$0x3FAD] =	sst s0;
	s0 =	simm.s32 @!p2 $0x0  }
0x16: {  	s3 =	sld [smem:$0x3FDB];
	s0 =	simm.s32 @p2 $0x1  }
0x17: {  	s4 =	simm.s32 $0x1BF5;
	[smem:$0x3FAF] =	sst s0  }
0x18: {  	s0 =	sld [smem:$0x3F92];
	_ =	swait.ge [sflag:s4], $0x0  }
0x19: {  	s7 =	sld [smem:$0x3F93]  }
0x1a: {  	s8 =	sadd.s32 $0xFFFFE003, lr  }
0x1b: {  	s9 =	sadd.s32 $0xFFFFFEF7, lr;
	s5 =	simm.s32 $0xFFFFFFFF;
	p2 =	slt.u32 s8, $0xFFFFF086  }
0x1c: {  	p1 =	slt.u32 s9, $0xF7A;
	s5 =	simm.s32 @!p2 $0x0  }
0x1d: {  	s5 =	simm.s32 @p1 $0x1;
	p0 =	seq.s32 s7, s2  }
0x1e: {  	s7 =	smul.u32 @!p0 $0xF7A, s2;
	p2 =	seq.s32 @!p0 s5, $0x0  }
0x1f: {  	s9 =	smul.u32 $0xF7A, s1;
	s8 =	simm.s32 @!p0 $0x1BF5;
	p2 =	por !p2, p0  }
0x20: {  	[sflag:s8] =	ssyncset.s32 @!p0 $0xFFFFF086;
	s6 =	sadd.s32 @!p0 s3, s7;
	s7 =	simm.s32 @!p0 $0x108  }
0x21: {  	s3 =	sadd.s32 s3, s9;
	s6 =	sadd.s32 @!p0 $0x88, s6;
	s7 =	simm.s32 @p2 $0x1082  }
0x22: {  	[simem:s7], [sflag:s8] =	dma.local @!p0 [hbm:s6], $0xF7A  }
0x23: {  	s9 =	sor.u32 $0xD0000000, s2;
	s6 =	simm.s32 $0x108;
	_ =	swait.ge @!p0 [sflag:s8], $0x0  }
0x24: {  	s3 =	sadd.s32 $0x88, s3;
	s6 =	simm.s32 @!p1 $0x1082;
	[sflag:s4] =	ssyncset.s32 $0xFFFFF086  }
0x25: {  	[simem:s6], [sflag:s4] =	dma.local [hbm:s3], $0xF7A  }
0x26: {  	[smem:$0x3F93] =	sst s1;
	(tag) =	ssettag s2;
	_ =	strace s9  }
0x27: {  	s1 =	sld [smem:$0x3FA3]  }
0x28: {  	s2 =	sld [smem:$0x3FA4]  }
0x29: {  	s4 =	sld [smem:$0x3FA6]  }
0x2a: {  	p0 =	seq.s32 s5, $0x0;
	s5 =	sld [smem:$0x3FA7]  }
0x2b: {  	s6 =	sld [smem:$0x3FA8]  }
0x2c: {  	s7 =	sld [smem:$0x3FA9]  }
0x2d: {  	s3 =	simm.s32 $0x108;
	s8 =	sld [smem:$0x3FAA]  }
0x2e: {  	s3 =	simm.s32 @!p0 $0x1082;
	s9 =	sld [smem:$0x3FAB]  }
0x2f: {  	lr =	sadd.s32 s0, s3;
	s0 =	sld [smem:$0x3FA2]  }
0x30: {  	s3 =	sld [smem:$0x3FA5]  }
0x31: {  	[smem:$0x3FAE] =	sst s10  }
0x32: {  	s10 =	sld [smem:$0x3FAC];
	_ =	sdelay $0x3  }
0x33: {  	p0 =	seq.s32 s10, $0x1;
	s10 =	sld [smem:$0x3FAE];
	_ =	sdelay $0x3  }
0x34: {  	[smem:$0x3FAE] =	sst s10  }
0x35: {  	s10 =	sld [smem:$0x3FAD];
	_ =	sdelay $0x3  }
0x36: {  	p1 =	seq.s32 s10, $0x1;
	s10 =	sld [smem:$0x3FAE];
	_ =	sdelay $0x3  }
0x37: {  	[smem:$0x3FAE] =	sst s10  }
0x38: {  	s10 =	sld [smem:$0x3FAF]  }
0x39: {  	_ = 	snop;
	(pc) =	sbr.ind lr, $3  }
0x3a: {  	_ = 	snop  }
0x3b: {  	_ = 	snop  }
0x3c: {  	p2 =	seq.s32 s10, $0x1;
	s10 =	sld [smem:$0x3FAE]  }
0x3d: {  	_ =	shalt  }
0x3e: {  	_ =	shalt  }
0x3f: {  	_ =	shalt  }
0x40: {  	_ =	shalt  }
0x41: {  	_ =	shalt  }
0x42: {  	_ =	shalt  }
0x43: {  	_ =	shalt  }
0x44: {  	_ =	shalt  }
0x45: {  	_ =	shalt  }
0x46: {  	_ =	shalt  }
0x47: {  	_ =	shalt  }
0x48: {  	_ =	shalt  }
0x49: {  	_ =	shalt  }
0x4a: {  	_ =	shalt  }
0x4b: {  	_ =	shalt  }
0x4c: {  	_ =	shalt  }
0x4d: {  	_ =	shalt  }
0x4e: {  	_ =	shalt  }
0x4f: {  	_ =	shalt  }
0x50: {  	_ =	shalt  }
0x51: {  	_ =	shalt  }
0x52: {  	_ =	shalt  }
0x53: {  	_ =	shalt  }
0x54: {  	_ =	shalt  }
0x55: {  	_ =	shalt  }
0x56: {  	_ =	shalt  }
0x57: {  	_ =	shalt  }
0x58: {  	_ =	shalt  }
0x59: {  	_ =	shalt  }
0x5a: {  	_ =	shalt  }
0x5b: {  	_ =	shalt  }
0x5c: {  	_ =	shalt  }
0x5d: {  	_ =	shalt  }
0x5e: {  	_ =	shalt  }
0x5f: {  	_ =	shalt  }
0x60: {  	_ =	shalt  }
0x61: {  	_ =	shalt  }
0x62: {  	_ =	shalt  }
0x63: {  	_ =	shalt  }
0x64: {  	_ =	shalt  }
0x65: {  	_ =	shalt  }
0x66: {  	_ =	shalt  }
0x67: {  	_ =	shalt  }
0x68: {  	_ =	shalt  }
0x69: {  	_ =	shalt  }
0x6a: {  	_ =	shalt  }
0x6b: {  	_ =	shalt  }
0x6c: {  	_ =	shalt  }
0x6d: {  	_ =	shalt  }
0x6e: {  	_ =	shalt  }
0x6f: {  	_ =	shalt  }
0x70: {  	_ =	shalt  }
0x71: {  	_ =	shalt  }
0x72: {  	_ =	shalt  }
0x73: {  	_ =	shalt  }
0x74: {  	_ =	shalt  }
0x75: {  	_ =	shalt  }
0x76: {  	_ =	shalt  }
0x77: {  	_ =	shalt  }
0x78: {  	_ =	shalt  }
0x79: {  	_ =	shalt  }
0x7a: {  	_ =	shalt  }
0x7b: {  	_ =	shalt  }
0x7c: {  	_ =	shalt  }
0x7d: {  	_ =	shalt  }
0x7e: {  	_ =	shalt  }
0x7f: {  	_ =	shalt  }
0x80: {  	_ =	shalt  }
0x81: {  	_ =	shalt  }
0x82: {  	_ =	shalt  }
0x83: {  	_ =	shalt  }
0x84: {  	_ =	shalt  }
0x85: {  	_ =	shalt  }
0x86: {  	_ =	shalt  }
0x87: {  	_ =	shalt  }
.Lfunc_end0:
.L_simem_size_0:
called_computation_lowered:
.L_overlay_start_0:
0x88: {  	s2 =	sld [smem:$0x3FD9]  }
0x89: {  	s3 =	sld [smem:$0x3FFE];
	_ =	sdelay $0x1  }
0x8a: {  	s1 =	srdreg.scid  }
0x8b: {  	s0 =	sand.u32 $0x1, s1  }
0x8c: {  	s17 =	sshll.u32 s0, $0xA;
	s2 =	sadd.s32 s3, s2  }
0x8d: {  	s2 =	sadd.s32 s2, s17  }
0x8e: {  	[smem:$0x3FBA] =	sst s2  }
0x8f: {  	_ = 	snop  }
0x90: {  	s2 =	sld [smem:$0x3FD0];
	(tm) =	ssettm $0x1  }
0x91: {  	s18 =	sld [smem:$0x3FFB];
	_ =	sdelay $0x3  }
0x92: {  	_ =	strace s18  }
0x93: {  	s3 =	sld [smem:$0x3FFC];
	_ =	sdelay $0x3  }
0x94: {  	_ =	strace s3  }
0x95: {  	s3 =	sld [smem:$0x3FFD];
	_ =	sdelay $0x3  }
0x96: {  	_ =	strace s3  }
0x97: {  	_ =	strace $0x8FFFFFFF  }
0x98: {  	s19 =	sld [smem:$0x3FDB];
	_ =	sdelay $0x1  }
0x99: {  	s4 =	simm.s32 $_scs_section_size  }
0x9a: {  	s5 =	simm.s32 $_size__tile_overlayer_lowered;
	s6 =	simm.s32 $_tile_overlayer_lowered  }
0x9b: {  	s22 =	simm.s32 $0x1BFF;
	s21 =	sshll.u32 s6, $0x1;
	s3 =	sadd.s32 s4, s19  }
0x9c: {  	s7 =	simm.s32 $0x0;
	s20 =	sshll.u32 s5, $0x1;
	s5 =	sadd.s32 s21, s3  }
0x9d: {  	[timem:s7], [sflag:s22] =	dma.local [hbm:s5], s20  }
0x9e: {  	_ =	swait.ge [sflag:s22], s20  }
0x9f: {  	s4 =	ssub.s32 $0x0, s20;
	[sflag:s22] =	ssyncset.done $0x0  }
0xa0: {  	[sflag:s22] =	ssyncadd.s32 s4;
	_ =	sdelay $0x1  }
0xa1: {  	s23 =	simm.s32 $0x1B8B  }
0xa2: {  	_ =	swait.ge [sflag:s23], $0x1  }
0xa3: {  	[sflag:s23] =	ssyncset.done $0x0  }
0xa4: {  	s25 =	simm.s32 $0x1B8E;
	s24 =	sld [smem:$0x3FFE];
	[sflag:s23] =	ssyncadd.s32 $0xFFFFFFFF  }
0xa5: {  	s26 =	simm.s32 $execute0_lowered;
	[smem:$0x3FD2] =	sst s25  }
0xa6: {  	s5 =	sshll.u32 s26, $0x1;
	_ =	strace $0x80000046;
	[dreg:$0x1] =	wrdreg $0xFFFFFFFF  }
0xa7: {  	s28 =	simm.s32 $_size_execute0_lowered;
	s3 =	sadd.s32 s3, s5;
	[dreg:$0x0] =	wrdreg $0x0  }
0xa8: {  	s5 =	sshll.u32 s28, $0x1;
	[dreg:$0x2] =	wrdreg s3  }
0xa9: {  	[dreg:$0x3] =	wrdreg s5  }
0xaa: {  	[dreg:$0x4] =	wrdreg $0xC0  }
0xab: {  	_ =	task [dreg:s7], $0x5FFFF  }
0xac: {  	[dreg:$0x1] =	wrdreg $0xFFFFFFFF  }
0xad: {  	[dreg:$0x0] =	wrdreg $0x60  }
0xae: {  	[dreg:$0x2] =	wrdreg s24  }
0xaf: {  	[dreg:$0x3] =	wrdreg s2  }
0xb0: {  	[dreg:$0x4] =	wrdreg $0x0  }
0xb1: {  	[dreg:$0x5] =	wrdreg $0x9  }
0xb2: {  	_ =	task.clear_ibuf [dreg:s7], $0x6FFFF;
	_ =	strace $0x90000046  }
0xb3: {  	s29 =	simm.s32 $0x9;
	_ =	strace $0x80000048  }
0xb4: {  	_ =	swait.ge [sflag:s29], $0x1  }
0xb5: {  	[sflag:s29] =	ssyncadd.s32 $0xFFFFFFFF  }
0xb6: {  	_ =	strace $0x90000048  }
0xb7: {  	_ =	sfence  }
0xb8: {  	s30 =	sld [smem:$0x0];
	_ =	sdelay $0x2  }
0xb9: {  	s31 =	sshll.u32 s1, $0xD;
	s1 =	sshrl.u32 s1, $0x2  }
0xba: {  	s3 =	sand.u32 $0x4000, s31;
	s1 =	sadd.s32 s1, s30  }
0xbb: {  	s0 =	sor.u32 s3, s0;
	s1 =	sshll.u32 s1, $0x11  }
0xbc: {  	s0 =	sor.u32 s1, s0  }
0xbd: {  	s0 =	sadd.s32 $0x8F2B, s0  }
0xbe: {  	[sflag:s0] =	ssyncadd.remote.s32 $0x1  }
0xbf: {  	_ =	sfence.sel $0xFFFF  }
0xc0: {  	[dreg:$0x0] =	wrdreg $0xFFFFFFFF;
	(pc) =	sbr.abs _section_cstart, $3  }
0xc1: {  	[dreg:$0x1] =	wrdreg $0xFFFFFFFF  }
0xc2: {  	_ =	task.clear_ibuf [dreg:s7], $0x2FFFF;
	_ =	strace $0x9FFFFFFF  }
0xc3: {  	(tm) =	ssettm $0x7FFFFFFF  }
tec
execute0_lowered:
.L_overlay_start_1:
0x0: {  	(tag) =	ssettag $0x1  }
0x1: {  	s0 =	rddreg [dreg:$0x0]  }
0x2: {  	s13 =	rddreg [dreg:$0x1]  }
0x3: {  	s1 =	rddreg [dreg:$0x2];
	s3 =	simm.s32 $0x0;
	s4 =	srdreg.scid  }
0x4: {  	s2 =	stileid.u32;
	s17 =	simm.s32 $0xC400;
	s23 =	simm.s32 $0x16200  }
0x5: {  	s24 =	simm.s32 $0x1;
	s25 =	simm.s32 $0x80;
	s28 =	simm.s32 $0x10000  }
0x6: {  	s29 =	simm.s32 $0x13100;
	s30 =	simm.s32 $0x3100;
	[smem:$0x7FF] =	sst s3  }
0x7: {  	s11 =	sand.u32 $0x1, s4;
	s12 =	sshll.u32 s2, $0x10;
	s21 =	sadd.s32 $0x3600, s0  }
0x8: {  	s0 =	sadd.s32 $0x34600, s0;
	s14 =	sand.u32 $0x1, s2;
	s9 =	sshll.u32 s2, $0x6  }
0x9: {  	_ =	strace $0x80000047;
	s5 =	ssub.s32 $0x2, s11;
	s4 =	sadd.s32 s12, s1  }
0xa: {  	s16 =	smul.u32 $0xC4000, s11;
	p0 =	seq.s32 s14, $0x1;
	s26 =	sand.u32 $0x380, s9  }
0xb: {  	s11 =	sshll.u32 s11, $0x14;
	s6 =	sshrl.u32 s5, $0x1;
	s7 =	sadd.s32 $0x6000, s4  }
0xc: {  	s8 =	sadd.s32 $0x8000, s4;
	s10 =	sadd.s32 $0xA000, s4;
	s17 =	simm.s32 @!p0 $0x0  }
0xd: {  	s12 =	sor.u32 s12, s11;
	s11 =	sadd.s32 $0xC000, s4;
	s15 =	ssub.s32 s5, s6  }
0xe: {  	s5 =	sadd.s32 $0x2000, s4;
	s6 =	sadd.s32 $0x4000, s4;
	s14 =	sor.u32 s26, s16  }
0xf: {  	s31 =	sshrl.u32 s12, $0x3;
	s12 =	sadd.s32 $0xE000, s4;
	s14 =	sshrl.u32 s14, $0x3  }
0x10: {  	s26 =	simm.s32 $0x400;
	s13 =	sadd.s32 s13, s31;
	s22 =	sadd.s32 s17, s14  }
0x11: {  	s15 =	smax.u32 s15, $0x1;
	s14 =	sadd.s32 s21, s22;
	s16 =	sadd.s32 s0, s22  }
0x12: {  	s18 =	sadd.s32 $0x3100, s22;
	s20 =	sadd.s32 $0x6200, s22;
	s22 =	sadd.s32 $0x9300, s22  }
0x13: {  	s17 =	sadd.s32 s21, s18;
	s18 =	sadd.s32 s0, s18;
	s19 =	sadd.s32 s21, s20  }
0x14: {  	v0 =	vimm.f32 $0.0e+00;
	s20 =	sadd.s32 s0, s20;
	s21 =	sadd.s32 s21, s22;
	s22 =	sadd.s32 s0, s22  }
.LBB2_1:
0x15: {  	s31 =	simm.s32 $0x40;
	s0 =	simm.s32 $0x0  }
.LBB2_2:
0x16: {  	p0 =	sne.s32 s31, $0x7FC0;
	[tilespmem:s0+$0x16200] =	vst v0;
	s0 =	smov.u32 s31;
	s31 =	sadd.s32 $0x40, s31  }
.Ltmp0:
0x17: {  	(pc) =	sbr.rel @p0 .LBB2_2-.Ltmp0, $2  }
0x18: {  	_ =	sdelay $0x2  }
0x19: {  	s0 =	sshra.s32 s0, $0x2  }
0x1a: {  	[tilespmem:s0+$0x16200] =	vst v0  }
0x1b: {  	[spmem:s4] =	stream.linear.scatter [tilespmem:s23], [sflag:$0x1], $0x2000, $0x38;
	[tilespmem:$0x18200] =	vst v63  }
0x1c: {  	_ =	swait.ge [sflag:s24], $0x2000  }
0x1d: {  	[sflag:s24] =	ssyncset.done $0x0  }
0x1e: {  	[sflag:s24] =	ssyncadd.s32 $0xFFFFE000  }
0x1f: {  	[spmem:s5] =	stream.linear.scatter [tilespmem:s23], [sflag:$0x1], $0x2000, $0x38;
	[tilespmem:$0x18200] =	vst v63  }
0x20: {  	_ =	swait.ge [sflag:s24], $0x2000  }
0x21: {  	[sflag:s24] =	ssyncset.done $0x0  }
0x22: {  	[sflag:s24] =	ssyncadd.s32 $0xFFFFE000  }
0x23: {  	[spmem:s6] =	stream.linear.scatter [tilespmem:s23], [sflag:$0x1], $0x2000, $0x38;
	[tilespmem:$0x18200] =	vst v63  }
0x24: {  	_ =	swait.ge [sflag:s24], $0x2000  }
0x25: {  	[sflag:s24] =	ssyncset.done $0x0  }
0x26: {  	[sflag:s24] =	ssyncadd.s32 $0xFFFFE000  }
0x27: {  	[spmem:s7] =	stream.linear.scatter [tilespmem:s23], [sflag:$0x1], $0x2000, $0x38;
	[tilespmem:$0x18200] =	vst v63  }
0x28: {  	_ =	swait.ge [sflag:s24], $0x2000  }
0x29: {  	[sflag:s24] =	ssyncset.done $0x0  }
0x2a: {  	[sflag:s24] =	ssyncadd.s32 $0xFFFFE000  }
0x2b: {  	[spmem:s8] =	stream.linear.scatter [tilespmem:s23], [sflag:$0x1], $0x2000, $0x38;
	[tilespmem:$0x18200] =	vst v63  }
0x2c: {  	_ =	swait.ge [sflag:s24], $0x2000  }
0x2d: {  	[sflag:s24] =	ssyncset.done $0x0  }
0x2e: {  	[sflag:s24] =	ssyncadd.s32 $0xFFFFE000  }
0x2f: {  	[spmem:s10] =	stream.linear.scatter [tilespmem:s23], [sflag:$0x1], $0x2000, $0x38;
	[tilespmem:$0x18200] =	vst v63  }
0x30: {  	_ =	swait.ge [sflag:s24], $0x2000  }
0x31: {  	[sflag:s24] =	ssyncset.done $0x0  }
0x32: {  	[sflag:s24] =	ssyncadd.s32 $0xFFFFE000  }
0x33: {  	[spmem:s11] =	stream.linear.scatter [tilespmem:s23], [sflag:$0x1], $0x2000, $0x38;
	[tilespmem:$0x18200] =	vst v63  }
0x34: {  	_ =	swait.ge [sflag:s24], $0x2000  }
0x35: {  	[sflag:s24] =	ssyncset.done $0x0  }
0x36: {  	[sflag:s24] =	ssyncadd.s32 $0xFFFFE000  }
0x37: {  	[spmem:s12] =	stream.linear.scatter [tilespmem:s23], [sflag:$0x1], $0x2000, $0x38;
	[tilespmem:$0x18200] =	vst v63  }
0x38: {  	_ =	swait.ge [sflag:s24], $0x2000  }
0x39: {  	[sflag:s24] =	ssyncset.done $0x0  }
0x3a: {  	[sflag:s24] =	ssyncadd.s32 $0xFFFFE000  }
0x3b: {  	[bflag:$0x0] =	sbarrier.arrive $0xFFFF  }
0x3c: {  	[tilespmem:s28], [sflag:$0x1] =	stream.strided.gather [hbm4b:s14+s25], $0x3100, s26, s25, $0x38;
	[tilespmem:$0x18200] =	vst v63  }
0x3d: {  	_ =	swait.ge [sflag:s24], $0x3100  }
0x3e: {  	[sflag:s24] =	ssyncset.done $0x0  }
0x3f: {  	[sflag:s24] =	ssyncadd.s32 $0xFFFFCF00  }
0x40: {  	[tilespmem:s29], [sflag:$0x1] =	stream.strided.gather [hbm4b:s16+s25], $0x3100, s26, s25, $0x38;
	[tilespmem:$0x18200] =	vst v63  }
0x41: {  	_ =	swait.ge [sflag:s24], $0x3100  }
0x42: {  	[sflag:s24] =	ssyncset.done $0x0  }
0x43: {  	[sflag:s24] =	ssyncadd.s32 $0xFFFFCF00  }
0x44: {  	[spmem:s1] =	stream.indirect.scatter.add.f32 [tilespmem:s29], [sflag:$0x1], $0x1, s28, s30, $0xb8;
	[tilespmem:$0x18200] =	vst v63  }
0x45: {  	_ =	swait.ge [sflag:s24], $0x3100  }
0x46: {  	[sflag:s24] =	ssyncset.done $0x0  }
0x47: {  	[sflag:s24] =	ssyncadd.s32 $0xFFFFCF00  }
0x48: {  	[tilespmem:s28], [sflag:$0x1] =	stream.strided.gather [hbm4b:s17+s25], $0x3100, s26, s25, $0x38;
	[tilespmem:$0x18200] =	vst v63  }
0x49: {  	_ =	swait.ge [sflag:s24], $0x3100  }
0x4a: {  	[sflag:s24] =	ssyncset.done $0x0  }
0x4b: {  	[sflag:s24] =	ssyncadd.s32 $0xFFFFCF00  }
0x4c: {  	[tilespmem:s29], [sflag:$0x1] =	stream.strided.gather [hbm4b:s18+s25], $0x3100, s26, s25, $0x38;
	[tilespmem:$0x18200] =	vst v63  }
0x4d: {  	_ =	swait.ge [sflag:s24], $0x3100  }
0x4e: {  	[sflag:s24] =	ssyncset.done $0x0  }
0x4f: {  	[sflag:s24] =	ssyncadd.s32 $0xFFFFCF00  }
0x50: {  	[spmem:s1] =	stream.indirect.scatter.add.f32 [tilespmem:s29], [sflag:$0x1], $0x1, s28, s30, $0xb8;
	[tilespmem:$0x18200] =	vst v63  }
0x51: {  	_ =	swait.ge [sflag:s24], $0x3100  }
0x52: {  	[sflag:s24] =	ssyncset.done $0x0  }
0x53: {  	[sflag:s24] =	ssyncadd.s32 $0xFFFFCF00  }
0x54: {  	[tilespmem:s28], [sflag:$0x1] =	stream.strided.gather [hbm4b:s19+s25], $0x3100, s26, s25, $0x38;
	[tilespmem:$0x18200] =	vst v63  }
0x55: {  	_ =	swait.ge [sflag:s24], $0x3100  }
0x56: {  	[sflag:s24] =	ssyncset.done $0x0  }
0x57: {  	[sflag:s24] =	ssyncadd.s32 $0xFFFFCF00  }
0x58: {  	[tilespmem:s29], [sflag:$0x1] =	stream.strided.gather [hbm4b:s20+s25], $0x3100, s26, s25, $0x38;
	[tilespmem:$0x18200] =	vst v63  }
0x59: {  	_ =	swait.ge [sflag:s24], $0x3100  }
0x5a: {  	[sflag:s24] =	ssyncset.done $0x0  }
0x5b: {  	[sflag:s24] =	ssyncadd.s32 $0xFFFFCF00  }
0x5c: {  	[spmem:s1] =	stream.indirect.scatter.add.f32 [tilespmem:s29], [sflag:$0x1], $0x1, s28, s30, $0xb8;
	[tilespmem:$0x18200] =	vst v63  }
0x5d: {  	_ =	swait.ge [sflag:s24], $0x3100  }
0x5e: {  	[sflag:s24] =	ssyncset.done $0x0  }
0x5f: {  	[sflag:s24] =	ssyncadd.s32 $0xFFFFCF00  }
0x60: {  	[tilespmem:s28], [sflag:$0x1] =	stream.strided.gather [hbm4b:s21+s25], $0x3100, s26, s25, $0x38;
	[tilespmem:$0x18200] =	vst v63  }
0x61: {  	_ =	swait.ge [sflag:s24], $0x3100  }
0x62: {  	[sflag:s24] =	ssyncset.done $0x0  }
0x63: {  	[sflag:s24] =	ssyncadd.s32 $0xFFFFCF00  }
0x64: {  	[tilespmem:s29], [sflag:$0x1] =	stream.strided.gather [hbm4b:s22+s25], $0x3100, s26, s25, $0x38;
	[tilespmem:$0x18200] =	vst v63  }
0x65: {  	_ =	swait.ge [sflag:s24], $0x3100  }
0x66: {  	[sflag:s24] =	ssyncset.done $0x0  }
0x67: {  	[sflag:s24] =	ssyncadd.s32 $0xFFFFCF00  }
0x68: {  	[spmem:s1] =	stream.indirect.scatter.add.f32 [tilespmem:s29], [sflag:$0x1], $0x1, s28, s30, $0xb8;
	[tilespmem:$0x18200] =	vst v63  }
0x69: {  	_ =	swait.ge [sflag:s24], $0x3100  }
0x6a: {  	s3 =	sadd.s32 $0x1, s3;
	[sflag:s24] =	ssyncset.done $0x0  }
0x6b: {  	s0 =	sor.u32 $0x1C01, s9;
	p0 =	sne.s32 s3, s15;
	[sflag:s24] =	ssyncadd.s32 $0xFFFFCF00  }
.Ltmp1:
0x6c: {  	s31 =	sshrl.u32 s4, $0x3;
	[bflag:$0x0] =	sbarrier.arrive $0xFFFF;
	(pc) =	sbr.rel @p0 .LBB2_1-.Ltmp1, $4  }
0x6d: {  	[hbm:s13], [sflag:s0] =	dma.local [spmem:s31], $0x2000  }
0x6e: {  	_ =	swait.ge [sflag:s24], $0x2000  }
0x6f: {  	[sflag:s24] =	ssyncset.done $0x0  }
0x70: {  	[sflag:s24] =	ssyncadd.s32 $0xFFFFE000  }
0x71: {  	_ =	sfence.sel $0x180000  }
0x72: {  	[bflag:$0x0] =	sbarrier.arrive $0xFFFF  }
0x73: {  	_ =	strace $0x90000047  }
0x74: {  	[bflag:$0x2] =	sbarrier.arrive $0xFFFF  }
0x75: {  	p0 =	sne.s32 s2, $0x0;
	s0 =	rddreg [dreg:$0x3]  }
0x76: {  	s0 =	sadd.s32 @!p0 $0x100000, s0  }
0x77: {  	[sflag:s0] =	ssyncadd.tile.s32 @!p0 $0x1;
	_ =	shalt  }
.Lfunc_end2:
_tile_overlayer_lowered:
.L_overlay_start_2:
0x78: {  	(tag) =	ssettag $0x2  }
0x79: {  	s0 =	rddreg [dreg:$0x0];
	s2 =	stileid.u32  }
0x7a: {  	s1 =	rddreg [dreg:$0x1];
	p0 =	sne.s32 s2, $0x0  }
0x7b: {  	s3 =	rddreg [dreg:$0x2];
	[bflag:$0x3] =	sbarrier.arrive $0xFFFF;
	s2 =	simm.s32 @!p0 $0x1C01  }
0x7c: {  	[timem:s3], [sflag:s2] =	dma.local @!p0 [hbm:s0], s1  }
0x7d: {  	s0 =	simm.s32 @!p0 $0x1  }
0x7e: {  	_ =	swait.ge @!p0 [sflag:s0], s1  }
0x7f: {  	s1 =	ssub.s32 @!p0 $0x0, s1;
	[sflag:s0] =	ssyncset.done @!p0 $0x0  }
0x80: {  	[sflag:s0] =	ssyncadd.s32 @!p0 s1  }
0x81: {  	[bflag:$0x3] =	sbarrier.arrive $0xFFFF  }
0x82: {  	_ =	shalt  }

</sc_bundles>
